<compile_context>
chip_gen: v7x
topology: tpu7x:2x2x1
jax: 0.10.2.dev20260603
libtpu: 0.0.44.dev20260713+nightly
codegen_flags: <defaults>
</compile_context>

<pallas_src>
import functools

import jax
import jax.numpy as jnp
import numpy as np
from jax import lax
from jax.experimental import pallas as pl
from jax.experimental.pallas import tpu as pltpu
from jax.experimental.pallas import tpu_sc as plsc

D_MODEL = 128
MAX_LEN = 5000

NUM_CORES = 2
NUM_SUBCORES = 16
NUM_WORKERS = NUM_CORES * NUM_SUBCORES

CHUNK = 128
NBUF = 5
LOAD_AHEAD = 3
DRAIN_LAG = 2


def _build_pe_np():
    position = np.arange(MAX_LEN, dtype=np.float32)[:, None]
    div_term = np.exp(
        np.arange(0, D_MODEL, 2, dtype=np.float32) * (-np.log(10000.0) / D_MODEL)
    ).astype(np.float32)
    pe_input = (position * div_term).astype(np.float32)
    pe = np.zeros((MAX_LEN, D_MODEL), dtype=np.float32)
    pe[:, ::2] = np.sin(pe_input)
    pe[:, 1::2] = np.cos(pe_input)
    return pe


_PE_TABLE = _build_pe_np()


def _make_sc_call(n_rows: int, n_sc: int):
    rows_per_worker = n_sc // NUM_WORKERS
    n_chunks = rows_per_worker // CHUNK
    n_steady = n_chunks - LOAD_AHEAD - DRAIN_LAG
    assert rows_per_worker * NUM_WORKERS == n_sc
    assert n_chunks * CHUNK == rows_per_worker
    assert n_steady % NBUF == 0 and n_steady >= NBUF
    assert LOAD_AHEAD + DRAIN_LAG == NBUF

    mesh = plsc.VectorSubcoreMesh(
        core_axis_name="c", subcore_axis_name="s",
        num_cores=NUM_CORES, num_subcores=NUM_SUBCORES,
    )

    @functools.partial(
        pl.kernel,
        out_type=jax.ShapeDtypeStruct((n_rows, D_MODEL), jnp.float32),
        mesh=mesh,
        scratch_types=[
            [pltpu.VMEM((CHUNK,), jnp.int32) for _ in range(NBUF)],
            [pltpu.VMEM((CHUNK, D_MODEL), jnp.float32) for _ in range(NBUF)],
            pltpu.VMEM_SHARED((MAX_LEN, D_MODEL), jnp.float32),
            [pltpu.SemaphoreType.DMA for _ in range(NBUF)],
            [pltpu.SemaphoreType.DMA for _ in range(NBUF)],
            [pltpu.SemaphoreType.DMA for _ in range(NBUF)],
            [pltpu.SemaphoreType.DMA for _ in range(NBUF)],
        ],
    )
    def sc_call(x_hbm, pe_hbm, idx_hbm, out_hbm, idx_v, rows, pe_sh,
                sem_x, sem_i, sem_g, sem_w):
        sid = lax.axis_index("s")
        wid = sid * NUM_CORES + lax.axis_index("c")
        w_base = wid * rows_per_worker

        @pl.when(sid == 0)
        def _():
            pltpu.sync_copy(pe_hbm, pe_sh)

        plsc.subcore_barrier()

        def issue_load(c, b):
            pltpu.async_copy(
                idx_hbm.at[pl.ds(w_base + c * CHUNK, CHUNK)], idx_v[b],
                sem_i[b])
            pltpu.async_copy(
                x_hbm.at[pl.ds(w_base + c * CHUNK, CHUNK)], rows[b], sem_x[b])

        def wait_load(c, b):
            pltpu.make_async_copy(
                idx_hbm.at[pl.ds(w_base + c * CHUNK, CHUNK)], idx_v[b],
                sem_i[b]).wait()
            pltpu.make_async_copy(
                x_hbm.at[pl.ds(w_base + c * CHUNK, CHUNK)], rows[b],
                sem_x[b]).wait()

        def issue_store(c, b):
            pltpu.async_copy(
                rows[b], out_hbm.at[pl.ds(w_base + c * CHUNK, CHUNK)], sem_w[b])

        def wait_store(c, b):
            pltpu.make_async_copy(
                rows[b], out_hbm.at[pl.ds(w_base + c * CHUNK, CHUNK)],
                sem_w[b]).wait()

        def issue_gather(c, b):
            pltpu.async_copy(pe_sh.at[idx_v[b]], rows[b], sem_g[b], add=True)

        def wait_gather(c, b):
            pltpu.make_async_copy(
                pe_sh.at[idx_v[b]], rows[b], sem_g[b]).wait()

        def visit(c, r, has_next_gather, has_drain, has_load):
            if has_next_gather:
                wait_load(c + 1, (r + 1) % NBUF)
                issue_gather(c + 1, (r + 1) % NBUF)
            wait_gather(c, r)
            issue_store(c, r)
            if has_drain:
                wait_store(c - DRAIN_LAG, (r - DRAIN_LAG) % NBUF)
            if has_load:
                issue_load(c + LOAD_AHEAD, (r + LOAD_AHEAD) % NBUF)

        for c in range(LOAD_AHEAD):
            issue_load(c, c % NBUF)
        wait_load(0, 0)
        issue_gather(0, 0)
        for c in range(DRAIN_LAG):
            visit(c, c % NBUF, True, False, True)

        def body(g, carry):
            for j in range(NBUF):
                c = DRAIN_LAG + g * NBUF + j
                visit(c, (DRAIN_LAG + j) % NBUF, True, True, True)
            return carry

        lax.fori_loop(0, n_steady // NBUF, body, 0)

        for c in range(n_chunks - LOAD_AHEAD, n_chunks):
            visit(c, c % NBUF, c + 1 < n_chunks, True, False)
        for c in range(n_chunks - DRAIN_LAG, n_chunks):
            wait_store(c, c % NBUF)

    return sc_call


SC_FRACTION_NUM = 3
SC_FRACTION_DEN = 4

TC_GB = 16


def _make_tc_call(n_rows: int, n_sc: int):
    n_groups = n_rows // D_MODEL
    sc_groups = n_sc // D_MODEL
    tc_groups = n_groups - sc_groups
    assert tc_groups % TC_GB == 0 and sc_groups % TC_GB == 0
    grid = tc_groups // TC_GB
    off = sc_groups // TC_GB

    def body(idx_ref, x_ref, trig_ref, out_ref):
        t = idx_ref[...].astype(jnp.float32)
        freq = trig_ref[0:1, 0:1, :]
        off = trig_ref[0:1, 1:2, :]
        phase = t[:, :, None] * freq + off
        out_ref[...] = x_ref[...] + jnp.sin(phase)

    return pl.pallas_call(
        body,
        grid=(grid,),
        in_specs=[
            pl.BlockSpec((TC_GB, D_MODEL), lambda i: (off + i, 0)),
            pl.BlockSpec((TC_GB, D_MODEL, D_MODEL), lambda i: (off + i, 0, 0)),
            pl.BlockSpec((1, 2, D_MODEL), lambda i: (0, 0, 0)),
        ],
        out_specs=pl.BlockSpec((TC_GB, D_MODEL, D_MODEL), lambda i: (i, 0, 0)),
        out_shape=jax.ShapeDtypeStruct((tc_groups, D_MODEL, D_MODEL),
                                       jnp.float32),
    )


def _build_trig_np():
    div_term = np.exp(
        np.arange(0, D_MODEL, 2, dtype=np.float32) * (-np.log(10000.0) / D_MODEL)
    ).astype(np.float32)
    freq = np.repeat(div_term, 2).astype(np.float32)
    off = np.tile(np.array([0.0, np.pi / 2], dtype=np.float32), D_MODEL // 2)
    return np.stack([freq, off], axis=0)[None].astype(np.float32)


_TRIG = _build_trig_np()


def kernel(x, rel_times):
    b, t, d = x.shape
    n_rows = b * t
    n_sc = n_rows * SC_FRACTION_NUM // SC_FRACTION_DEN
    x2 = x.reshape(n_rows, d)
    idx = rel_times.reshape(n_rows).astype(jnp.int32)
    pe = jnp.asarray(_PE_TABLE)
    out_sc = _make_sc_call(n_rows, n_sc)(x2, pe, idx)
    out_tc = _make_tc_call(n_rows, n_sc)(
        idx.reshape(n_rows // d, d),
        x2.reshape(n_rows // d, d, d),
        jnp.asarray(_TRIG),
    )
    out = jax.lax.dynamic_update_slice(
        out_sc, out_tc.reshape(n_rows - n_sc, d), (n_sc, 0))
    return out.reshape(b, t, d)

# --- scband reference (transcript-rebuilt; emitter-appended) ---
"""Pipeline reference for scband-temporal-positional-encoding-82764019794413 (READ-ONLY COPY).

The authoritative reference and input builder live on the scoring server;
editing this copy changes nothing except your own understanding.
"""

import jax, jax.numpy as jnp
import numpy as np

D_MODEL = 128
MAX_LEN = 5000


def _build_pe():
    position = jnp.arange(MAX_LEN, dtype=jnp.float32)[:, None]
    div_term = jnp.exp(jnp.arange(0, D_MODEL, 2, dtype=jnp.float32) * (-np.log(10000.0) / D_MODEL))
    pe_input = position * div_term
    pe = jnp.zeros((MAX_LEN, D_MODEL), dtype=jnp.float32)
    pe = pe.at[:, ::2].set(jnp.sin(pe_input))
    pe = pe.at[:, 1::2].set(jnp.cos(pe_input))
    return pe


def setup_inputs(seed: int = 0) -> dict:
    key = jax.random.key(seed)
    k1, k2 = jax.random.split(key)
    x = jax.random.normal(k1, (4096, 200, D_MODEL), dtype=jnp.float32)
    rel_times = jax.random.randint(k2, (4096, 200), 0, MAX_LEN, dtype=jnp.int64)
    return {"x": x, "rel_times": rel_times}


def reference(x, rel_times):
    # pe buffer (permuted to [1, max_len, d_model] in torch); pe[0, rel_times, :] == pe_table[rel_times]
    pe = _build_pe()
    out = x + jnp.take(pe, rel_times, axis=0)
    # dropout is identity in eval mode
    return out

if __name__ == "__main__":
    import jax
    _d = setup_inputs()
    print(jax.jit(kernel)(*tuple(_d.values())))

</pallas_src>

<mosaic_0001>
#map = affine_map<(d0, d1) -> (0, 0)>
#map1 = affine_map<(d0, d1) -> (0)>
module attributes {stable_mosaic.version = 14 : i64} {
  func.func @sc_call(%arg0: i32, %arg1: i32, %arg2: memref<819200x128xf32, #tpu.memory_space<hbm>>, %arg3: memref<5000x128xf32, #tpu.memory_space<hbm>>, %arg4: memref<819200xi32, #tpu.memory_space<hbm>>, %arg5: memref<819200x128xf32, #tpu.memory_space<hbm>>, %arg6: memref<128xi32, #tpu.memory_space<vmem>>, %arg7: memref<128xi32, #tpu.memory_space<vmem>>, %arg8: memref<128xi32, #tpu.memory_space<vmem>>, %arg9: memref<128xi32, #tpu.memory_space<vmem>>, %arg10: memref<128xi32, #tpu.memory_space<vmem>>, %arg11: memref<128x128xf32, #tpu.memory_space<vmem>>, %arg12: memref<128x128xf32, #tpu.memory_space<vmem>>, %arg13: memref<128x128xf32, #tpu.memory_space<vmem>>, %arg14: memref<128x128xf32, #tpu.memory_space<vmem>>, %arg15: memref<128x128xf32, #tpu.memory_space<vmem>>, %arg16: memref<5000x128xf32, #tpu.memory_space<vmem_shared>>, %arg17: memref<!tpu.dma_semaphore, #tpu.memory_space<semaphore_mem>>, %arg18: memref<!tpu.dma_semaphore, #tpu.memory_space<semaphore_mem>>, %arg19: memref<!tpu.dma_semaphore, #tpu.memory_space<semaphore_mem>>, %arg20: memref<!tpu.dma_semaphore, #tpu.memory_space<semaphore_mem>>, %arg21: memref<!tpu.dma_semaphore, #tpu.memory_space<semaphore_mem>>, %arg22: memref<!tpu.dma_semaphore, #tpu.memory_space<semaphore_mem>>, %arg23: memref<!tpu.dma_semaphore, #tpu.memory_space<semaphore_mem>>, %arg24: memref<!tpu.dma_semaphore, #tpu.memory_space<semaphore_mem>>, %arg25: memref<!tpu.dma_semaphore, #tpu.memory_space<semaphore_mem>>, %arg26: memref<!tpu.dma_semaphore, #tpu.memory_space<semaphore_mem>>, %arg27: memref<!tpu.dma_semaphore, #tpu.memory_space<semaphore_mem>>, %arg28: memref<!tpu.dma_semaphore, #tpu.memory_space<semaphore_mem>>, %arg29: memref<!tpu.dma_semaphore, #tpu.memory_space<semaphore_mem>>, %arg30: memref<!tpu.dma_semaphore, #tpu.memory_space<semaphore_mem>>, %arg31: memref<!tpu.dma_semaphore, #tpu.memory_space<semaphore_mem>>, %arg32: memref<!tpu.dma_semaphore, #tpu.memory_space<semaphore_mem>>, %arg33: memref<!tpu.dma_semaphore, #tpu.memory_space<semaphore_mem>>, %arg34: memref<!tpu.dma_semaphore, #tpu.memory_space<semaphore_mem>>, %arg35: memref<!tpu.dma_semaphore, #tpu.memory_space<semaphore_mem>>, %arg36: memref<!tpu.dma_semaphore, #tpu.memory_space<semaphore_mem>>) attributes {dimension_semantics = [#tpu.dimension_semantics<core_parallel>, #tpu.dimension_semantics<subcore_parallel>], iteration_bounds = array<i64: 2, 16>, scalar_prefetch = 0 : i64, scratch_operands = 31 : i64, tpu.core_type = #tpu.core_type<sc_vector_subcore>, window_params = [{transform_indices = #map}, {transform_indices = #map}, {transform_indices = #map1}, {transform_indices = #map}]} {
    %mul3A = arith.constant 2 : i32
    %mul3A_0 = arith.muli %arg1, %mul3A : i32
    %add3A = arith.addi %mul3A_0, %arg0 : i32
    %mul3A_1 = arith.constant 19200 : i32
    %mul3A_2 = arith.muli %add3A, %mul3A_1 : i32
    %eq3A = arith.constant 0 : i32
    %eq3A_3 = arith.cmpi eq, %arg1, %eq3A : i32
    %convert_element_type3A = arith.extui %eq3A_3 : i1 to i32
    %cond3A = arith.constant 0 : i32
    %cond3A_4 = arith.cmpi ne, %convert_element_type3A, %cond3A : i32
    scf.if %cond3A_4 {
      "tpu.region"() ({
        %run_scoped3A = tpu.sem_alloc : memref<!tpu.dma_semaphore, #tpu.memory_space<semaphore_mem>>
        tpu.enqueue_dma source(%arg3 : memref<5000x128xf32, #tpu.memory_space<hbm>>) target(%arg16 : memref<5000x128xf32, #tpu.memory_space<vmem_shared>>) target_semaphore(%run_scoped3A : memref<!tpu.dma_semaphore, #tpu.memory_space<semaphore_mem>>)
        tpu.wait_dma2 semaphore(%run_scoped3A : memref<!tpu.dma_semaphore, #tpu.memory_space<semaphore_mem>>) src(%arg3 : memref<5000x128xf32, #tpu.memory_space<hbm>>) dst(%arg16 : memref<5000x128xf32, #tpu.memory_space<vmem_shared>>)
        tpu.yield
      }) : () -> ()
    } else {
    }
    %barrier3A = arith.constant 0 : index
    tpu.barrier barrier_id(%barrier3A)
    %add3A_5 = arith.constant 0 : i32
    %add3A_6 = arith.addi %mul3A_2, %add3A_5 : i32
    %dma_start3A = tpu.memref_slice %arg4[%add3A_6] : memref<819200xi32, #tpu.memory_space<hbm>> -> memref<128xi32, #tpu.memory_space<hbm>>
    %dma_start3A_7 = tpu.memref_slice %arg4[%add3A_6] : memref<819200xi32, #tpu.memory_space<hbm>> -> memref<128xi32, #tpu.memory_space<hbm>>
    tpu.enqueue_dma source(%dma_start3A_7 : memref<128xi32, #tpu.memory_space<hbm>>) target(%arg6 : memref<128xi32, #tpu.memory_space<vmem>>) target_semaphore(%arg22 : memref<!tpu.dma_semaphore, #tpu.memory_space<semaphore_mem>>)
    %add3A_8 = arith.constant 0 : i32
    %add3A_9 = arith.addi %mul3A_2, %add3A_8 : i32
    %dma_start3A_10 = arith.constant 0 : i32
    %dma_start3A_11 = tpu.memref_slice %arg2[%add3A_9, %dma_start3A_10] : memref<819200x128xf32, #tpu.memory_space<hbm>> -> memref<128x128xf32, #tpu.memory_space<hbm>>
    %dma_start3A_12 = arith.constant 0 : i32
    %dma_start3A_13 = tpu.memref_slice %arg2[%add3A_9, %dma_start3A_12] : memref<819200x128xf32, #tpu.memory_space<hbm>> -> memref<128x128xf32, #tpu.memory_space<hbm>>
    tpu.enqueue_dma source(%dma_start3A_13 : memref<128x128xf32, #tpu.memory_space<hbm>>) target(%arg11 : memref<128x128xf32, #tpu.memory_space<vmem>>) target_semaphore(%arg17 : memref<!tpu.dma_semaphore, #tpu.memory_space<semaphore_mem>>)
    %add3A_14 = arith.constant 128 : i32
    %add3A_15 = arith.addi %mul3A_2, %add3A_14 : i32
    %dma_start3A_16 = tpu.memref_slice %arg4[%add3A_15] : memref<819200xi32, #tpu.memory_space<hbm>> -> memref<128xi32, #tpu.memory_space<hbm>>
    %dma_start3A_17 = tpu.memref_slice %arg4[%add3A_15] : memref<819200xi32, #tpu.memory_space<hbm>> -> memref<128xi32, #tpu.memory_space<hbm>>
    tpu.enqueue_dma source(%dma_start3A_17 : memref<128xi32, #tpu.memory_space<hbm>>) target(%arg7 : memref<128xi32, #tpu.memory_space<vmem>>) target_semaphore(%arg23 : memref<!tpu.dma_semaphore, #tpu.memory_space<semaphore_mem>>)
    %add3A_18 = arith.constant 128 : i32
    %add3A_19 = arith.addi %mul3A_2, %add3A_18 : i32
    %dma_start3A_20 = arith.constant 0 : i32
    %dma_start3A_21 = tpu.memref_slice %arg2[%add3A_19, %dma_start3A_20] : memref<819200x128xf32, #tpu.memory_space<hbm>> -> memref<128x128xf32, #tpu.memory_space<hbm>>
    %dma_start3A_22 = arith.constant 0 : i32
    %dma_start3A_23 = tpu.memref_slice %arg2[%add3A_19, %dma_start3A_22] : memref<819200x128xf32, #tpu.memory_space<hbm>> -> memref<128x128xf32, #tpu.memory_space<hbm>>
    tpu.enqueue_dma source(%dma_start3A_23 : memref<128x128xf32, #tpu.memory_space<hbm>>) target(%arg12 : memref<128x128xf32, #tpu.memory_space<vmem>>) target_semaphore(%arg18 : memref<!tpu.dma_semaphore, #tpu.memory_space<semaphore_mem>>)
    %add3A_24 = arith.constant 256 : i32
    %add3A_25 = arith.addi %mul3A_2, %add3A_24 : i32
    %dma_start3A_26 = tpu.memref_slice %arg4[%add3A_25] : memref<819200xi32, #tpu.memory_space<hbm>> -> memref<128xi32, #tpu.memory_space<hbm>>
    %dma_start3A_27 = tpu.memref_slice %arg4[%add3A_25] : memref<819200xi32, #tpu.memory_space<hbm>> -> memref<128xi32, #tpu.memory_space<hbm>>
    tpu.enqueue_dma source(%dma_start3A_27 : memref<128xi32, #tpu.memory_space<hbm>>) target(%arg8 : memref<128xi32, #tpu.memory_space<vmem>>) target_semaphore(%arg24 : memref<!tpu.dma_semaphore, #tpu.memory_space<semaphore_mem>>)
    %add3A_28 = arith.constant 256 : i32
    %add3A_29 = arith.addi %mul3A_2, %add3A_28 : i32
    %dma_start3A_30 = arith.constant 0 : i32
    %dma_start3A_31 = tpu.memref_slice %arg2[%add3A_29, %dma_start3A_30] : memref<819200x128xf32, #tpu.memory_space<hbm>> -> memref<128x128xf32, #tpu.memory_space<hbm>>
    %dma_start3A_32 = arith.constant 0 : i32
    %dma_start3A_33 = tpu.memref_slice %arg2[%add3A_29, %dma_start3A_32] : memref<819200x128xf32, #tpu.memory_space<hbm>> -> memref<128x128xf32, #tpu.memory_space<hbm>>
    tpu.enqueue_dma source(%dma_start3A_33 : memref<128x128xf32, #tpu.memory_space<hbm>>) target(%arg13 : memref<128x128xf32, #tpu.memory_space<vmem>>) target_semaphore(%arg19 : memref<!tpu.dma_semaphore, #tpu.memory_space<semaphore_mem>>)
    %add3A_34 = arith.constant 0 : i32
    %add3A_35 = arith.addi %mul3A_2, %add3A_34 : i32
    %dma_wait3A = tpu.memref_slice %arg4[%add3A_35] : memref<819200xi32, #tpu.memory_space<hbm>> -> memref<128xi32, #tpu.memory_space<hbm>>
    %dma_wait3A_36 = tpu.memref_slice %arg4[%add3A_35] : memref<819200xi32, #tpu.memory_space<hbm>> -> memref<128xi32, #tpu.memory_space<hbm>>
    tpu.wait_dma2 semaphore(%arg22 : memref<!tpu.dma_semaphore, #tpu.memory_space<semaphore_mem>>) src(%dma_wait3A_36 : memref<128xi32, #tpu.memory_space<hbm>>) dst(%arg6 : memref<128xi32, #tpu.memory_space<vmem>>)
    %add3A_37 = arith.constant 0 : i32
    %add3A_38 = arith.addi %mul3A_2, %add3A_37 : i32
    %dma_wait3A_39 = arith.constant 0 : i32
    %dma_wait3A_40 = tpu.memref_slice %arg2[%add3A_38, %dma_wait3A_39] : memref<819200x128xf32, #tpu.memory_space<hbm>> -> memref<128x128xf32, #tpu.memory_space<hbm>>
    %dma_wait3A_41 = arith.constant 0 : i32
    %dma_wait3A_42 = tpu.memref_slice %arg2[%add3A_38, %dma_wait3A_41] : memref<819200x128xf32, #tpu.memory_space<hbm>> -> memref<128x128xf32, #tpu.memory_space<hbm>>
    tpu.wait_dma2 semaphore(%arg17 : memref<!tpu.dma_semaphore, #tpu.memory_space<semaphore_mem>>) src(%dma_wait3A_42 : memref<128x128xf32, #tpu.memory_space<hbm>>) dst(%arg11 : memref<128x128xf32, #tpu.memory_space<vmem>>)
    %dma_start3A_43 = arith.constant 0 : i32
    %dma_start3A_44 = arith.constant 0 : i32
    %dma_start3A_45 = tpu.memref_slice %arg16[%dma_start3A_43, %dma_start3A_44] : memref<5000x128xf32, #tpu.memory_space<vmem_shared>> -> memref<5000x128xf32, #tpu.memory_space<vmem_shared>>
    tpu.enqueue_indirect_dma source(%dma_start3A_45 : memref<5000x128xf32, #tpu.memory_space<vmem_shared>>) target(%arg11 : memref<128x128xf32, #tpu.memory_space<vmem>>) offsets(%arg6 : memref<128xi32, #tpu.memory_space<vmem>>) semaphore(%arg27 : memref<!tpu.dma_semaphore, #tpu.memory_space<semaphore_mem>>) {add = true}
    %add3A_46 = arith.constant 128 : i32
    %add3A_47 = arith.addi %mul3A_2, %add3A_46 : i32
    %dma_wait3A_48 = tpu.memref_slice %arg4[%add3A_47] : memref<819200xi32, #tpu.memory_space<hbm>> -> memref<128xi32, #tpu.memory_space<hbm>>
    %dma_wait3A_49 = tpu.memref_slice %arg4[%add3A_47] : memref<819200xi32, #tpu.memory_space<hbm>> -> memref<128xi32, #tpu.memory_space<hbm>>
    tpu.wait_dma2 semaphore(%arg23 : memref<!tpu.dma_semaphore, #tpu.memory_space<semaphore_mem>>) src(%dma_wait3A_49 : memref<128xi32, #tpu.memory_space<hbm>>) dst(%arg7 : memref<128xi32, #tpu.memory_space<vmem>>)
    %add3A_50 = arith.constant 128 : i32
    %add3A_51 = arith.addi %mul3A_2, %add3A_50 : i32
    %dma_wait3A_52 = arith.constant 0 : i32
    %dma_wait3A_53 = tpu.memref_slice %arg2[%add3A_51, %dma_wait3A_52] : memref<819200x128xf32, #tpu.memory_space<hbm>> -> memref<128x128xf32, #tpu.memory_space<hbm>>
    %dma_wait3A_54 = arith.constant 0 : i32
    %dma_wait3A_55 = tpu.memref_slice %arg2[%add3A_51, %dma_wait3A_54] : memref<819200x128xf32, #tpu.memory_space<hbm>> -> memref<128x128xf32, #tpu.memory_space<hbm>>
    tpu.wait_dma2 semaphore(%arg18 : memref<!tpu.dma_semaphore, #tpu.memory_space<semaphore_mem>>) src(%dma_wait3A_55 : memref<128x128xf32, #tpu.memory_space<hbm>>) dst(%arg12 : memref<128x128xf32, #tpu.memory_space<vmem>>)
    %dma_start3A_56 = arith.constant 0 : i32
    %dma_start3A_57 = arith.constant 0 : i32
    %dma_start3A_58 = tpu.memref_slice %arg16[%dma_start3A_56, %dma_start3A_57] : memref<5000x128xf32, #tpu.memory_space<vmem_shared>> -> memref<5000x128xf32, #tpu.memory_space<vmem_shared>>
    tpu.enqueue_indirect_dma source(%dma_start3A_58 : memref<5000x128xf32, #tpu.memory_space<vmem_shared>>) target(%arg12 : memref<128x128xf32, #tpu.memory_space<vmem>>) offsets(%arg7 : memref<128xi32, #tpu.memory_space<vmem>>) semaphore(%arg28 : memref<!tpu.dma_semaphore, #tpu.memory_space<semaphore_mem>>) {add = true}
    %dma_wait3A_59 = arith.constant 0 : i32
    %dma_wait3A_60 = arith.constant 0 : i32
    %dma_wait3A_61 = tpu.memref_slice %arg16[%dma_wait3A_59, %dma_wait3A_60] : memref<5000x128xf32, #tpu.memory_space<vmem_shared>> -> memref<5000x128xf32, #tpu.memory_space<vmem_shared>>
    tpu.wait_indirect_dma semaphore(%arg27 : memref<!tpu.dma_semaphore, #tpu.memory_space<semaphore_mem>>) src(%dma_wait3A_61 : memref<5000x128xf32, #tpu.memory_space<vmem_shared>>) dst(%arg11 : memref<128x128xf32, #tpu.memory_space<vmem>>)
    %add3A_62 = arith.constant 0 : i32
    %add3A_63 = arith.addi %mul3A_2, %add3A_62 : i32
    %dma_start3A_64 = arith.constant 0 : i32
    %dma_start3A_65 = tpu.memref_slice %arg5[%add3A_63, %dma_start3A_64] : memref<819200x128xf32, #tpu.memory_space<hbm>> -> memref<128x128xf32, #tpu.memory_space<hbm>>
    %dma_start3A_66 = arith.constant 0 : i32
    %dma_start3A_67 = tpu.memref_slice %arg5[%add3A_63, %dma_start3A_66] : memref<819200x128xf32, #tpu.memory_space<hbm>> -> memref<128x128xf32, #tpu.memory_space<hbm>>
    tpu.enqueue_dma source(%arg11 : memref<128x128xf32, #tpu.memory_space<vmem>>) target(%dma_start3A_67 : memref<128x128xf32, #tpu.memory_space<hbm>>) target_semaphore(%arg32 : memref<!tpu.dma_semaphore, #tpu.memory_space<semaphore_mem>>)
    %add3A_68 = arith.constant 384 : i32
    %add3A_69 = arith.addi %mul3A_2, %add3A_68 : i32
    %dma_start3A_70 = tpu.memref_slice %arg4[%add3A_69] : memref<819200xi32, #tpu.memory_space<hbm>> -> memref<128xi32, #tpu.memory_space<hbm>>
    %dma_start3A_71 = tpu.memref_slice %arg4[%add3A_69] : memref<819200xi32, #tpu.memory_space<hbm>> -> memref<128xi32, #tpu.memory_space<hbm>>
    tpu.enqueue_dma source(%dma_start3A_71 : memref<128xi32, #tpu.memory_space<hbm>>) target(%arg9 : memref<128xi32, #tpu.memory_space<vmem>>) target_semaphore(%arg25 : memref<!tpu.dma_semaphore, #tpu.memory_space<semaphore_mem>>)
    %add3A_72 = arith.constant 384 : i32
    %add3A_73 = arith.addi %mul3A_2, %add3A_72 : i32
    %dma_start3A_74 = arith.constant 0 : i32
    %dma_start3A_75 = tpu.memref_slice %arg2[%add3A_73, %dma_start3A_74] : memref<819200x128xf32, #tpu.memory_space<hbm>> -> memref<128x128xf32, #tpu.memory_space<hbm>>
    %dma_start3A_76 = arith.constant 0 : i32
    %dma_start3A_77 = tpu.memref_slice %arg2[%add3A_73, %dma_start3A_76] : memref<819200x128xf32, #tpu.memory_space<hbm>> -> memref<128x128xf32, #tpu.memory_space<hbm>>
    tpu.enqueue_dma source(%dma_start3A_77 : memref<128x128xf32, #tpu.memory_space<hbm>>) target(%arg14 : memref<128x128xf32, #tpu.memory_space<vmem>>) target_semaphore(%arg20 : memref<!tpu.dma_semaphore, #tpu.memory_space<semaphore_mem>>)
    %add3A_78 = arith.constant 256 : i32
    %add3A_79 = arith.addi %mul3A_2, %add3A_78 : i32
    %dma_wait3A_80 = tpu.memref_slice %arg4[%add3A_79] : memref<819200xi32, #tpu.memory_space<hbm>> -> memref<128xi32, #tpu.memory_space<hbm>>
    %dma_wait3A_81 = tpu.memref_slice %arg4[%add3A_79] : memref<819200xi32, #tpu.memory_space<hbm>> -> memref<128xi32, #tpu.memory_space<hbm>>
    tpu.wait_dma2 semaphore(%arg24 : memref<!tpu.dma_semaphore, #tpu.memory_space<semaphore_mem>>) src(%dma_wait3A_81 : memref<128xi32, #tpu.memory_space<hbm>>) dst(%arg8 : memref<128xi32, #tpu.memory_space<vmem>>)
    %add3A_82 = arith.constant 256 : i32
    %add3A_83 = arith.addi %mul3A_2, %add3A_82 : i32
    %dma_wait3A_84 = arith.constant 0 : i32
    %dma_wait3A_85 = tpu.memref_slice %arg2[%add3A_83, %dma_wait3A_84] : memref<819200x128xf32, #tpu.memory_space<hbm>> -> memref<128x128xf32, #tpu.memory_space<hbm>>
    %dma_wait3A_86 = arith.constant 0 : i32
    %dma_wait3A_87 = tpu.memref_slice %arg2[%add3A_83, %dma_wait3A_86] : memref<819200x128xf32, #tpu.memory_space<hbm>> -> memref<128x128xf32, #tpu.memory_space<hbm>>
    tpu.wait_dma2 semaphore(%arg19 : memref<!tpu.dma_semaphore, #tpu.memory_space<semaphore_mem>>) src(%dma_wait3A_87 : memref<128x128xf32, #tpu.memory_space<hbm>>) dst(%arg13 : memref<128x128xf32, #tpu.memory_space<vmem>>)
    %dma_start3A_88 = arith.constant 0 : i32
    %dma_start3A_89 = arith.constant 0 : i32
    %dma_start3A_90 = tpu.memref_slice %arg16[%dma_start3A_88, %dma_start3A_89] : memref<5000x128xf32, #tpu.memory_space<vmem_shared>> -> memref<5000x128xf32, #tpu.memory_space<vmem_shared>>
    tpu.enqueue_indirect_dma source(%dma_start3A_90 : memref<5000x128xf32, #tpu.memory_space<vmem_shared>>) target(%arg13 : memref<128x128xf32, #tpu.memory_space<vmem>>) offsets(%arg8 : memref<128xi32, #tpu.memory_space<vmem>>) semaphore(%arg29 : memref<!tpu.dma_semaphore, #tpu.memory_space<semaphore_mem>>) {add = true}
    %dma_wait3A_91 = arith.constant 0 : i32
    %dma_wait3A_92 = arith.constant 0 : i32
    %dma_wait3A_93 = tpu.memref_slice %arg16[%dma_wait3A_91, %dma_wait3A_92] : memref<5000x128xf32, #tpu.memory_space<vmem_shared>> -> memref<5000x128xf32, #tpu.memory_space<vmem_shared>>
    tpu.wait_indirect_dma semaphore(%arg28 : memref<!tpu.dma_semaphore, #tpu.memory_space<semaphore_mem>>) src(%dma_wait3A_93 : memref<5000x128xf32, #tpu.memory_space<vmem_shared>>) dst(%arg12 : memref<128x128xf32, #tpu.memory_space<vmem>>)
    %add3A_94 = arith.constant 128 : i32
    %add3A_95 = arith.addi %mul3A_2, %add3A_94 : i32
    %dma_start3A_96 = arith.constant 0 : i32
    %dma_start3A_97 = tpu.memref_slice %arg5[%add3A_95, %dma_start3A_96] : memref<819200x128xf32, #tpu.memory_space<hbm>> -> memref<128x128xf32, #tpu.memory_space<hbm>>
    %dma_start3A_98 = arith.constant 0 : i32
    %dma_start3A_99 = tpu.memref_slice %arg5[%add3A_95, %dma_start3A_98] : memref<819200x128xf32, #tpu.memory_space<hbm>> -> memref<128x128xf32, #tpu.memory_space<hbm>>
    tpu.enqueue_dma source(%arg12 : memref<128x128xf32, #tpu.memory_space<vmem>>) target(%dma_start3A_99 : memref<128x128xf32, #tpu.memory_space<hbm>>) target_semaphore(%arg33 : memref<!tpu.dma_semaphore, #tpu.memory_space<semaphore_mem>>)
    %add3A_100 = arith.constant 512 : i32
    %add3A_101 = arith.addi %mul3A_2, %add3A_100 : i32
    %dma_start3A_102 = tpu.memref_slice %arg4[%add3A_101] : memref<819200xi32, #tpu.memory_space<hbm>> -> memref<128xi32, #tpu.memory_space<hbm>>
    %dma_start3A_103 = tpu.memref_slice %arg4[%add3A_101] : memref<819200xi32, #tpu.memory_space<hbm>> -> memref<128xi32, #tpu.memory_space<hbm>>
    tpu.enqueue_dma source(%dma_start3A_103 : memref<128xi32, #tpu.memory_space<hbm>>) target(%arg10 : memref<128xi32, #tpu.memory_space<vmem>>) target_semaphore(%arg26 : memref<!tpu.dma_semaphore, #tpu.memory_space<semaphore_mem>>)
    %add3A_104 = arith.constant 512 : i32
    %add3A_105 = arith.addi %mul3A_2, %add3A_104 : i32
    %dma_start3A_106 = arith.constant 0 : i32
    %dma_start3A_107 = tpu.memref_slice %arg2[%add3A_105, %dma_start3A_106] : memref<819200x128xf32, #tpu.memory_space<hbm>> -> memref<128x128xf32, #tpu.memory_space<hbm>>
    %dma_start3A_108 = arith.constant 0 : i32
    %dma_start3A_109 = tpu.memref_slice %arg2[%add3A_105, %dma_start3A_108] : memref<819200x128xf32, #tpu.memory_space<hbm>> -> memref<128x128xf32, #tpu.memory_space<hbm>>
    tpu.enqueue_dma source(%dma_start3A_109 : memref<128x128xf32, #tpu.memory_space<hbm>>) target(%arg15 : memref<128x128xf32, #tpu.memory_space<vmem>>) target_semaphore(%arg21 : memref<!tpu.dma_semaphore, #tpu.memory_space<semaphore_mem>>)
    %scan3A = arith.constant 0 : i32
    %scan3A_110 = arith.constant 0 : i32
    %scan3A_111 = arith.constant 29 : i32
    %scan3A_112 = arith.addi %scan3A_110, %scan3A_111 : i32
    %scan3A_113 = arith.constant 1 : i32
    scf.for %scan3A_198 = %scan3A_110 to %scan3A_112 step %scan3A_113  : i32 {
      %mul3A_199 = arith.constant 5 : i32
      %mul3A_200 = arith.muli %scan3A_198, %mul3A_199 : i32
      %add3A_201 = arith.constant 2 : i32
      %add3A_202 = arith.addi %add3A_201, %mul3A_200 : i32
      %add3A_203 = arith.constant 0 : i32
      %add3A_204 = arith.addi %add3A_202, %add3A_203 : i32
      %add3A_205 = arith.constant 1 : i32
      %add3A_206 = arith.addi %add3A_204, %add3A_205 : i32
      %mul3A_207 = arith.constant 128 : i32
      %mul3A_208 = arith.muli %add3A_206, %mul3A_207 : i32
      %add3A_209 = arith.addi %mul3A_2, %mul3A_208 : i32
      %dma_wait3A_210 = tpu.memref_slice %arg4[%add3A_209] : memref<819200xi32, #tpu.memory_space<hbm>> -> memref<128xi32, #tpu.memory_space<hbm>>
      %dma_wait3A_211 = tpu.memref_slice %arg4[%add3A_209] : memref<819200xi32, #tpu.memory_space<hbm>> -> memref<128xi32, #tpu.memory_space<hbm>>
      tpu.wait_dma2 semaphore(%arg25 : memref<!tpu.dma_semaphore, #tpu.memory_space<semaphore_mem>>) src(%dma_wait3A_211 : memref<128xi32, #tpu.memory_space<hbm>>) dst(%arg9 : memref<128xi32, #tpu.memory_space<vmem>>)
      %mul3A_212 = arith.constant 128 : i32
      %mul3A_213 = arith.muli %add3A_206, %mul3A_212 : i32
      %add3A_214 = arith.addi %mul3A_2, %mul3A_213 : i32
      %dma_wait3A_215 = arith.constant 0 : i32
      %dma_wait3A_216 = tpu.memref_slice %arg2[%add3A_214, %dma_wait3A_215] : memref<819200x128xf32, #tpu.memory_space<hbm>> -> memref<128x128xf32, #tpu.memory_space<hbm>>
      %dma_wait3A_217 = arith.constant 0 : i32
      %dma_wait3A_218 = tpu.memref_slice %arg2[%add3A_214, %dma_wait3A_217] : memref<819200x128xf32, #tpu.memory_space<hbm>> -> memref<128x128xf32, #tpu.memory_space<hbm>>
      tpu.wait_dma2 semaphore(%arg20 : memref<!tpu.dma_semaphore, #tpu.memory_space<semaphore_mem>>) src(%dma_wait3A_218 : memref<128x128xf32, #tpu.memory_space<hbm>>) dst(%arg14 : memref<128x128xf32, #tpu.memory_space<vmem>>)
      %add3A_219 = arith.constant 1 : i32
      %add3A_220 = arith.addi %add3A_204, %add3A_219 : i32
      %dma_start3A_221 = arith.constant 0 : i32
      %dma_start3A_222 = arith.constant 0 : i32
      %dma_start3A_223 = tpu.memref_slice %arg16[%dma_start3A_221, %dma_start3A_222] : memref<5000x128xf32, #tpu.memory_space<vmem_shared>> -> memref<5000x128xf32, #tpu.memory_space<vmem_shared>>
      tpu.enqueue_indirect_dma source(%dma_start3A_223 : memref<5000x128xf32, #tpu.memory_space<vmem_shared>>) target(%arg14 : memref<128x128xf32, #tpu.memory_space<vmem>>) offsets(%arg9 : memref<128xi32, #tpu.memory_space<vmem>>) semaphore(%arg30 : memref<!tpu.dma_semaphore, #tpu.memory_space<semaphore_mem>>) {add = true}
      %dma_wait3A_224 = arith.constant 0 : i32
      %dma_wait3A_225 = arith.constant 0 : i32
      %dma_wait3A_226 = tpu.memref_slice %arg16[%dma_wait3A_224, %dma_wait3A_225] : memref<5000x128xf32, #tpu.memory_space<vmem_shared>> -> memref<5000x128xf32, #tpu.memory_space<vmem_shared>>
      tpu.wait_indirect_dma semaphore(%arg29 : memref<!tpu.dma_semaphore, #tpu.memory_space<semaphore_mem>>) src(%dma_wait3A_226 : memref<5000x128xf32, #tpu.memory_space<vmem_shared>>) dst(%arg13 : memref<128x128xf32, #tpu.memory_space<vmem>>)
      %mul3A_227 = arith.constant 128 : i32
      %mul3A_228 = arith.muli %add3A_204, %mul3A_227 : i32
      %add3A_229 = arith.addi %mul3A_2, %mul3A_228 : i32
      %dma_start3A_230 = arith.constant 0 : i32
      %dma_start3A_231 = tpu.memref_slice %arg5[%add3A_229, %dma_start3A_230] : memref<819200x128xf32, #tpu.memory_space<hbm>> -> memref<128x128xf32, #tpu.memory_space<hbm>>
      %dma_start3A_232 = arith.constant 0 : i32
      %dma_start3A_233 = tpu.memref_slice %arg5[%add3A_229, %dma_start3A_232] : memref<819200x128xf32, #tpu.memory_space<hbm>> -> memref<128x128xf32, #tpu.memory_space<hbm>>
      tpu.enqueue_dma source(%arg13 : memref<128x128xf32, #tpu.memory_space<vmem>>) target(%dma_start3A_233 : memref<128x128xf32, #tpu.memory_space<hbm>>) target_semaphore(%arg34 : memref<!tpu.dma_semaphore, #tpu.memory_space<semaphore_mem>>)
      %sub3A = arith.constant 2 : i32
      %sub3A_234 = arith.subi %add3A_204, %sub3A : i32
      %mul3A_235 = arith.constant 128 : i32
      %mul3A_236 = arith.muli %sub3A_234, %mul3A_235 : i32
      %add3A_237 = arith.addi %mul3A_2, %mul3A_236 : i32
      %dma_wait3A_238 = arith.constant 0 : i32
      %dma_wait3A_239 = tpu.memref_slice %arg5[%add3A_237, %dma_wait3A_238] : memref<819200x128xf32, #tpu.memory_space<hbm>> -> memref<128x128xf32, #tpu.memory_space<hbm>>
      %dma_wait3A_240 = arith.constant 0 : i32
      %dma_wait3A_241 = tpu.memref_slice %arg5[%add3A_237, %dma_wait3A_240] : memref<819200x128xf32, #tpu.memory_space<hbm>> -> memref<128x128xf32, #tpu.memory_space<hbm>>
      tpu.wait_dma2 semaphore(%arg32 : memref<!tpu.dma_semaphore, #tpu.memory_space<semaphore_mem>>) src(%arg11 : memref<128x128xf32, #tpu.memory_space<vmem>>) dst(%dma_wait3A_241 : memref<128x128xf32, #tpu.memory_space<hbm>>)
      %add3A_242 = arith.constant 3 : i32
      %add3A_243 = arith.addi %add3A_204, %add3A_242 : i32
      %mul3A_244 = arith.constant 128 : i32
      %mul3A_245 = arith.muli %add3A_243, %mul3A_244 : i32
      %add3A_246 = arith.addi %mul3A_2, %mul3A_245 : i32
      %dma_start3A_247 = tpu.memref_slice %arg4[%add3A_246] : memref<819200xi32, #tpu.memory_space<hbm>> -> memref<128xi32, #tpu.memory_space<hbm>>
      %dma_start3A_248 = tpu.memref_slice %arg4[%add3A_246] : memref<819200xi32, #tpu.memory_space<hbm>> -> memref<128xi32, #tpu.memory_space<hbm>>
      tpu.enqueue_dma source(%dma_start3A_248 : memref<128xi32, #tpu.memory_space<hbm>>) target(%arg6 : memref<128xi32, #tpu.memory_space<vmem>>) target_semaphore(%arg22 : memref<!tpu.dma_semaphore, #tpu.memory_space<semaphore_mem>>)
      %mul3A_249 = arith.constant 128 : i32
      %mul3A_250 = arith.muli %add3A_243, %mul3A_249 : i32
      %add3A_251 = arith.addi %mul3A_2, %mul3A_250 : i32
      %dma_start3A_252 = arith.constant 0 : i32
      %dma_start3A_253 = tpu.memref_slice %arg2[%add3A_251, %dma_start3A_252] : memref<819200x128xf32, #tpu.memory_space<hbm>> -> memref<128x128xf32, #tpu.memory_space<hbm>>
      %dma_start3A_254 = arith.constant 0 : i32
      %dma_start3A_255 = tpu.memref_slice %arg2[%add3A_251, %dma_start3A_254] : memref<819200x128xf32, #tpu.memory_space<hbm>> -> memref<128x128xf32, #tpu.memory_space<hbm>>
      tpu.enqueue_dma source(%dma_start3A_255 : memref<128x128xf32, #tpu.memory_space<hbm>>) target(%arg11 : memref<128x128xf32, #tpu.memory_space<vmem>>) target_semaphore(%arg17 : memref<!tpu.dma_semaphore, #tpu.memory_space<semaphore_mem>>)
      %mul3A_256 = arith.constant 5 : i32
      %mul3A_257 = arith.muli %scan3A_198, %mul3A_256 : i32
      %add3A_258 = arith.constant 2 : i32
      %add3A_259 = arith.addi %add3A_258, %mul3A_257 : i32
      %add3A_260 = arith.constant 1 : i32
      %add3A_261 = arith.addi %add3A_259, %add3A_260 : i32
      %add3A_262 = arith.constant 1 : i32
      %add3A_263 = arith.addi %add3A_261, %add3A_262 : i32
      %mul3A_264 = arith.constant 128 : i32
      %mul3A_265 = arith.muli %add3A_263, %mul3A_264 : i32
      %add3A_266 = arith.addi %mul3A_2, %mul3A_265 : i32
      %dma_wait3A_267 = tpu.memref_slice %arg4[%add3A_266] : memref<819200xi32, #tpu.memory_space<hbm>> -> memref<128xi32, #tpu.memory_space<hbm>>
      %dma_wait3A_268 = tpu.memref_slice %arg4[%add3A_266] : memref<819200xi32, #tpu.memory_space<hbm>> -> memref<128xi32, #tpu.memory_space<hbm>>
      tpu.wait_dma2 semaphore(%arg26 : memref<!tpu.dma_semaphore, #tpu.memory_space<semaphore_mem>>) src(%dma_wait3A_268 : memref<128xi32, #tpu.memory_space<hbm>>) dst(%arg10 : memref<128xi32, #tpu.memory_space<vmem>>)
      %mul3A_269 = arith.constant 128 : i32
      %mul3A_270 = arith.muli %add3A_263, %mul3A_269 : i32
      %add3A_271 = arith.addi %mul3A_2, %mul3A_270 : i32
      %dma_wait3A_272 = arith.constant 0 : i32
      %dma_wait3A_273 = tpu.memref_slice %arg2[%add3A_271, %dma_wait3A_272] : memref<819200x128xf32, #tpu.memory_space<hbm>> -> memref<128x128xf32, #tpu.memory_space<hbm>>
      %dma_wait3A_274 = arith.constant 0 : i32
      %dma_wait3A_275 = tpu.memref_slice %arg2[%add3A_271, %dma_wait3A_274] : memref<819200x128xf32, #tpu.memory_space<hbm>> -> memref<128x128xf32, #tpu.memory_space<hbm>>
      tpu.wait_dma2 semaphore(%arg21 : memref<!tpu.dma_semaphore, #tpu.memory_space<semaphore_mem>>) src(%dma_wait3A_275 : memref<128x128xf32, #tpu.memory_space<hbm>>) dst(%arg15 : memref<128x128xf32, #tpu.memory_space<vmem>>)
      %add3A_276 = arith.constant 1 : i32
      %add3A_277 = arith.addi %add3A_261, %add3A_276 : i32
      %dma_start3A_278 = arith.constant 0 : i32
      %dma_start3A_279 = arith.constant 0 : i32
      %dma_start3A_280 = tpu.memref_slice %arg16[%dma_start3A_278, %dma_start3A_279] : memref<5000x128xf32, #tpu.memory_space<vmem_shared>> -> memref<5000x128xf32, #tpu.memory_space<vmem_shared>>
      tpu.enqueue_indirect_dma source(%dma_start3A_280 : memref<5000x128xf32, #tpu.memory_space<vmem_shared>>) target(%arg15 : memref<128x128xf32, #tpu.memory_space<vmem>>) offsets(%arg10 : memref<128xi32, #tpu.memory_space<vmem>>) semaphore(%arg31 : memref<!tpu.dma_semaphore, #tpu.memory_space<semaphore_mem>>) {add = true}
      %dma_wait3A_281 = arith.constant 0 : i32
      %dma_wait3A_282 = arith.constant 0 : i32
      %dma_wait3A_283 = tpu.memref_slice %arg16[%dma_wait3A_281, %dma_wait3A_282] : memref<5000x128xf32, #tpu.memory_space<vmem_shared>> -> memref<5000x128xf32, #tpu.memory_space<vmem_shared>>
      tpu.wait_indirect_dma semaphore(%arg30 : memref<!tpu.dma_semaphore, #tpu.memory_space<semaphore_mem>>) src(%dma_wait3A_283 : memref<5000x128xf32, #tpu.memory_space<vmem_shared>>) dst(%arg14 : memref<128x128xf32, #tpu.memory_space<vmem>>)
      %mul3A_284 = arith.constant 128 : i32
      %mul3A_285 = arith.muli %add3A_261, %mul3A_284 : i32
      %add3A_286 = arith.addi %mul3A_2, %mul3A_285 : i32
      %dma_start3A_287 = arith.constant 0 : i32
      %dma_start3A_288 = tpu.memref_slice %arg5[%add3A_286, %dma_start3A_287] : memref<819200x128xf32, #tpu.memory_space<hbm>> -> memref<128x128xf32, #tpu.memory_space<hbm>>
      %dma_start3A_289 = arith.constant 0 : i32
      %dma_start3A_290 = tpu.memref_slice %arg5[%add3A_286, %dma_start3A_289] : memref<819200x128xf32, #tpu.memory_space<hbm>> -> memref<128x128xf32, #tpu.memory_space<hbm>>
      tpu.enqueue_dma source(%arg14 : memref<128x128xf32, #tpu.memory_space<vmem>>) target(%dma_start3A_290 : memref<128x128xf32, #tpu.memory_space<hbm>>) target_semaphore(%arg35 : memref<!tpu.dma_semaphore, #tpu.memory_space<semaphore_mem>>)
      %sub3A_291 = arith.constant 2 : i32
      %sub3A_292 = arith.subi %add3A_261, %sub3A_291 : i32
      %mul3A_293 = arith.constant 128 : i32
      %mul3A_294 = arith.muli %sub3A_292, %mul3A_293 : i32
      %add3A_295 = arith.addi %mul3A_2, %mul3A_294 : i32
      %dma_wait3A_296 = arith.constant 0 : i32
      %dma_wait3A_297 = tpu.memref_slice %arg5[%add3A_295, %dma_wait3A_296] : memref<819200x128xf32, #tpu.memory_space<hbm>> -> memref<128x128xf32, #tpu.memory_space<hbm>>
      %dma_wait3A_298 = arith.constant 0 : i32
      %dma_wait3A_299 = tpu.memref_slice %arg5[%add3A_295, %dma_wait3A_298] : memref<819200x128xf32, #tpu.memory_space<hbm>> -> memref<128x128xf32, #tpu.memory_space<hbm>>
      tpu.wait_dma2 semaphore(%arg33 : memref<!tpu.dma_semaphore, #tpu.memory_space<semaphore_mem>>) src(%arg12 : memref<128x128xf32, #tpu.memory_space<vmem>>) dst(%dma_wait3A_299 : memref<128x128xf32, #tpu.memory_space<hbm>>)
      %add3A_300 = arith.constant 3 : i32
      %add3A_301 = arith.addi %add3A_261, %add3A_300 : i32
      %mul3A_302 = arith.constant 128 : i32
      %mul3A_303 = arith.muli %add3A_301, %mul3A_302 : i32
      %add3A_304 = arith.addi %mul3A_2, %mul3A_303 : i32
      %dma_start3A_305 = tpu.memref_slice %arg4[%add3A_304] : memref<819200xi32, #tpu.memory_space<hbm>> -> memref<128xi32, #tpu.memory_space<hbm>>
      %dma_start3A_306 = tpu.memref_slice %arg4[%add3A_304] : memref<819200xi32, #tpu.memory_space<hbm>> -> memref<128xi32, #tpu.memory_space<hbm>>
      tpu.enqueue_dma source(%dma_start3A_306 : memref<128xi32, #tpu.memory_space<hbm>>) target(%arg7 : memref<128xi32, #tpu.memory_space<vmem>>) target_semaphore(%arg23 : memref<!tpu.dma_semaphore, #tpu.memory_space<semaphore_mem>>)
      %mul3A_307 = arith.constant 128 : i32
      %mul3A_308 = arith.muli %add3A_301, %mul3A_307 : i32
      %add3A_309 = arith.addi %mul3A_2, %mul3A_308 : i32
      %dma_start3A_310 = arith.constant 0 : i32
      %dma_start3A_311 = tpu.memref_slice %arg2[%add3A_309, %dma_start3A_310] : memref<819200x128xf32, #tpu.memory_space<hbm>> -> memref<128x128xf32, #tpu.memory_space<hbm>>
      %dma_start3A_312 = arith.constant 0 : i32
      %dma_start3A_313 = tpu.memref_slice %arg2[%add3A_309, %dma_start3A_312] : memref<819200x128xf32, #tpu.memory_space<hbm>> -> memref<128x128xf32, #tpu.memory_space<hbm>>
      tpu.enqueue_dma source(%dma_start3A_313 : memref<128x128xf32, #tpu.memory_space<hbm>>) target(%arg12 : memref<128x128xf32, #tpu.memory_space<vmem>>) target_semaphore(%arg18 : memref<!tpu.dma_semaphore, #tpu.memory_space<semaphore_mem>>)
      %mul3A_314 = arith.constant 5 : i32
      %mul3A_315 = arith.muli %scan3A_198, %mul3A_314 : i32
      %add3A_316 = arith.constant 2 : i32
      %add3A_317 = arith.addi %add3A_316, %mul3A_315 : i32
      %add3A_318 = arith.constant 2 : i32
      %add3A_319 = arith.addi %add3A_317, %add3A_318 : i32
      %add3A_320 = arith.constant 1 : i32
      %add3A_321 = arith.addi %add3A_319, %add3A_320 : i32
      %mul3A_322 = arith.constant 128 : i32
      %mul3A_323 = arith.muli %add3A_321, %mul3A_322 : i32
      %add3A_324 = arith.addi %mul3A_2, %mul3A_323 : i32
      %dma_wait3A_325 = tpu.memref_slice %arg4[%add3A_324] : memref<819200xi32, #tpu.memory_space<hbm>> -> memref<128xi32, #tpu.memory_space<hbm>>
      %dma_wait3A_326 = tpu.memref_slice %arg4[%add3A_324] : memref<819200xi32, #tpu.memory_space<hbm>> -> memref<128xi32, #tpu.memory_space<hbm>>
      tpu.wait_dma2 semaphore(%arg22 : memref<!tpu.dma_semaphore, #tpu.memory_space<semaphore_mem>>) src(%dma_wait3A_326 : memref<128xi32, #tpu.memory_space<hbm>>) dst(%arg6 : memref<128xi32, #tpu.memory_space<vmem>>)
      %mul3A_327 = arith.constant 128 : i32
      %mul3A_328 = arith.muli %add3A_321, %mul3A_327 : i32
      %add3A_329 = arith.addi %mul3A_2, %mul3A_328 : i32
      %dma_wait3A_330 = arith.constant 0 : i32
      %dma_wait3A_331 = tpu.memref_slice %arg2[%add3A_329, %dma_wait3A_330] : memref<819200x128xf32, #tpu.memory_space<hbm>> -> memref<128x128xf32, #tpu.memory_space<hbm>>
      %dma_wait3A_332 = arith.constant 0 : i32
      %dma_wait3A_333 = tpu.memref_slice %arg2[%add3A_329, %dma_wait3A_332] : memref<819200x128xf32, #tpu.memory_space<hbm>> -> memref<128x128xf32, #tpu.memory_space<hbm>>
      tpu.wait_dma2 semaphore(%arg17 : memref<!tpu.dma_semaphore, #tpu.memory_space<semaphore_mem>>) src(%dma_wait3A_333 : memref<128x128xf32, #tpu.memory_space<hbm>>) dst(%arg11 : memref<128x128xf32, #tpu.memory_space<vmem>>)
      %add3A_334 = arith.constant 1 : i32
      %add3A_335 = arith.addi %add3A_319, %add3A_334 : i32
      %dma_start3A_336 = arith.constant 0 : i32
      %dma_start3A_337 = arith.constant 0 : i32
      %dma_start3A_338 = tpu.memref_slice %arg16[%dma_start3A_336, %dma_start3A_337] : memref<5000x128xf32, #tpu.memory_space<vmem_shared>> -> memref<5000x128xf32, #tpu.memory_space<vmem_shared>>
      tpu.enqueue_indirect_dma source(%dma_start3A_338 : memref<5000x128xf32, #tpu.memory_space<vmem_shared>>) target(%arg11 : memref<128x128xf32, #tpu.memory_space<vmem>>) offsets(%arg6 : memref<128xi32, #tpu.memory_space<vmem>>) semaphore(%arg27 : memref<!tpu.dma_semaphore, #tpu.memory_space<semaphore_mem>>) {add = true}
      %dma_wait3A_339 = arith.constant 0 : i32
      %dma_wait3A_340 = arith.constant 0 : i32
      %dma_wait3A_341 = tpu.memref_slice %arg16[%dma_wait3A_339, %dma_wait3A_340] : memref<5000x128xf32, #tpu.memory_space<vmem_shared>> -> memref<5000x128xf32, #tpu.memory_space<vmem_shared>>
      tpu.wait_indirect_dma semaphore(%arg31 : memref<!tpu.dma_semaphore, #tpu.memory_space<semaphore_mem>>) src(%dma_wait3A_341 : memref<5000x128xf32, #tpu.memory_space<vmem_shared>>) dst(%arg15 : memref<128x128xf32, #tpu.memory_space<vmem>>)
      %mul3A_342 = arith.constant 128 : i32
      %mul3A_343 = arith.muli %add3A_319, %mul3A_342 : i32
      %add3A_344 = arith.addi %mul3A_2, %mul3A_343 : i32
      %dma_start3A_345 = arith.constant 0 : i32
      %dma_start3A_346 = tpu.memref_slice %arg5[%add3A_344, %dma_start3A_345] : memref<819200x128xf32, #tpu.memory_space<hbm>> -> memref<128x128xf32, #tpu.memory_space<hbm>>
      %dma_start3A_347 = arith.constant 0 : i32
      %dma_start3A_348 = tpu.memref_slice %arg5[%add3A_344, %dma_start3A_347] : memref<819200x128xf32, #tpu.memory_space<hbm>> -> memref<128x128xf32, #tpu.memory_space<hbm>>
      tpu.enqueue_dma source(%arg15 : memref<128x128xf32, #tpu.memory_space<vmem>>) target(%dma_start3A_348 : memref<128x128xf32, #tpu.memory_space<hbm>>) target_semaphore(%arg36 : memref<!tpu.dma_semaphore, #tpu.memory_space<semaphore_mem>>)
      %sub3A_349 = arith.constant 2 : i32
      %sub3A_350 = arith.subi %add3A_319, %sub3A_349 : i32
      %mul3A_351 = arith.constant 128 : i32
      %mul3A_352 = arith.muli %sub3A_350, %mul3A_351 : i32
      %add3A_353 = arith.addi %mul3A_2, %mul3A_352 : i32
      %dma_wait3A_354 = arith.constant 0 : i32
      %dma_wait3A_355 = tpu.memref_slice %arg5[%add3A_353, %dma_wait3A_354] : memref<819200x128xf32, #tpu.memory_space<hbm>> -> memref<128x128xf32, #tpu.memory_space<hbm>>
      %dma_wait3A_356 = arith.constant 0 : i32
      %dma_wait3A_357 = tpu.memref_slice %arg5[%add3A_353, %dma_wait3A_356] : memref<819200x128xf32, #tpu.memory_space<hbm>> -> memref<128x128xf32, #tpu.memory_space<hbm>>
      tpu.wait_dma2 semaphore(%arg34 : memref<!tpu.dma_semaphore, #tpu.memory_space<semaphore_mem>>) src(%arg13 : memref<128x128xf32, #tpu.memory_space<vmem>>) dst(%dma_wait3A_357 : memref<128x128xf32, #tpu.memory_space<hbm>>)
      %add3A_358 = arith.constant 3 : i32
      %add3A_359 = arith.addi %add3A_319, %add3A_358 : i32
      %mul3A_360 = arith.constant 128 : i32
      %mul3A_361 = arith.muli %add3A_359, %mul3A_360 : i32
      %add3A_362 = arith.addi %mul3A_2, %mul3A_361 : i32
      %dma_start3A_363 = tpu.memref_slice %arg4[%add3A_362] : memref<819200xi32, #tpu.memory_space<hbm>> -> memref<128xi32, #tpu.memory_space<hbm>>
      %dma_start3A_364 = tpu.memref_slice %arg4[%add3A_362] : memref<819200xi32, #tpu.memory_space<hbm>> -> memref<128xi32, #tpu.memory_space<hbm>>
      tpu.enqueue_dma source(%dma_start3A_364 : memref<128xi32, #tpu.memory_space<hbm>>) target(%arg8 : memref<128xi32, #tpu.memory_space<vmem>>) target_semaphore(%arg24 : memref<!tpu.dma_semaphore, #tpu.memory_space<semaphore_mem>>)
      %mul3A_365 = arith.constant 128 : i32
      %mul3A_366 = arith.muli %add3A_359, %mul3A_365 : i32
      %add3A_367 = arith.addi %mul3A_2, %mul3A_366 : i32
      %dma_start3A_368 = arith.constant 0 : i32
      %dma_start3A_369 = tpu.memref_slice %arg2[%add3A_367, %dma_start3A_368] : memref<819200x128xf32, #tpu.memory_space<hbm>> -> memref<128x128xf32, #tpu.memory_space<hbm>>
      %dma_start3A_370 = arith.constant 0 : i32
      %dma_start3A_371 = tpu.memref_slice %arg2[%add3A_367, %dma_start3A_370] : memref<819200x128xf32, #tpu.memory_space<hbm>> -> memref<128x128xf32, #tpu.memory_space<hbm>>
      tpu.enqueue_dma source(%dma_start3A_371 : memref<128x128xf32, #tpu.memory_space<hbm>>) target(%arg13 : memref<128x128xf32, #tpu.memory_space<vmem>>) target_semaphore(%arg19 : memref<!tpu.dma_semaphore, #tpu.memory_space<semaphore_mem>>)
      %mul3A_372 = arith.constant 5 : i32
      %mul3A_373 = arith.muli %scan3A_198, %mul3A_372 : i32
      %add3A_374 = arith.constant 2 : i32
      %add3A_375 = arith.addi %add3A_374, %mul3A_373 : i32
      %add3A_376 = arith.constant 3 : i32
      %add3A_377 = arith.addi %add3A_375, %add3A_376 : i32
      %add3A_378 = arith.constant 1 : i32
      %add3A_379 = arith.addi %add3A_377, %add3A_378 : i32
      %mul3A_380 = arith.constant 128 : i32
      %mul3A_381 = arith.muli %add3A_379, %mul3A_380 : i32
      %add3A_382 = arith.addi %mul3A_2, %mul3A_381 : i32
      %dma_wait3A_383 = tpu.memref_slice %arg4[%add3A_382] : memref<819200xi32, #tpu.memory_space<hbm>> -> memref<128xi32, #tpu.memory_space<hbm>>
      %dma_wait3A_384 = tpu.memref_slice %arg4[%add3A_382] : memref<819200xi32, #tpu.memory_space<hbm>> -> memref<128xi32, #tpu.memory_space<hbm>>
      tpu.wait_dma2 semaphore(%arg23 : memref<!tpu.dma_semaphore, #tpu.memory_space<semaphore_mem>>) src(%dma_wait3A_384 : memref<128xi32, #tpu.memory_space<hbm>>) dst(%arg7 : memref<128xi32, #tpu.memory_space<vmem>>)
      %mul3A_385 = arith.constant 128 : i32
      %mul3A_386 = arith.muli %add3A_379, %mul3A_385 : i32
      %add3A_387 = arith.addi %mul3A_2, %mul3A_386 : i32
      %dma_wait3A_388 = arith.constant 0 : i32
      %dma_wait3A_389 = tpu.memref_slice %arg2[%add3A_387, %dma_wait3A_388] : memref<819200x128xf32, #tpu.memory_space<hbm>> -> memref<128x128xf32, #tpu.memory_space<hbm>>
      %dma_wait3A_390 = arith.constant 0 : i32
      %dma_wait3A_391 = tpu.memref_slice %arg2[%add3A_387, %dma_wait3A_390] : memref<819200x128xf32, #tpu.memory_space<hbm>> -> memref<128x128xf32, #tpu.memory_space<hbm>>
      tpu.wait_dma2 semaphore(%arg18 : memref<!tpu.dma_semaphore, #tpu.memory_space<semaphore_mem>>) src(%dma_wait3A_391 : memref<128x128xf32, #tpu.memory_space<hbm>>) dst(%arg12 : memref<128x128xf32, #tpu.memory_space<vmem>>)
      %add3A_392 = arith.constant 1 : i32
      %add3A_393 = arith.addi %add3A_377, %add3A_392 : i32
      %dma_start3A_394 = arith.constant 0 : i32
      %dma_start3A_395 = arith.constant 0 : i32
      %dma_start3A_396 = tpu.memref_slice %arg16[%dma_start3A_394, %dma_start3A_395] : memref<5000x128xf32, #tpu.memory_space<vmem_shared>> -> memref<5000x128xf32, #tpu.memory_space<vmem_shared>>
      tpu.enqueue_indirect_dma source(%dma_start3A_396 : memref<5000x128xf32, #tpu.memory_space<vmem_shared>>) target(%arg12 : memref<128x128xf32, #tpu.memory_space<vmem>>) offsets(%arg7 : memref<128xi32, #tpu.memory_space<vmem>>) semaphore(%arg28 : memref<!tpu.dma_semaphore, #tpu.memory_space<semaphore_mem>>) {add = true}
      %dma_wait3A_397 = arith.constant 0 : i32
      %dma_wait3A_398 = arith.constant 0 : i32
      %dma_wait3A_399 = tpu.memref_slice %arg16[%dma_wait3A_397, %dma_wait3A_398] : memref<5000x128xf32, #tpu.memory_space<vmem_shared>> -> memref<5000x128xf32, #tpu.memory_space<vmem_shared>>
      tpu.wait_indirect_dma semaphore(%arg27 : memref<!tpu.dma_semaphore, #tpu.memory_space<semaphore_mem>>) src(%dma_wait3A_399 : memref<5000x128xf32, #tpu.memory_space<vmem_shared>>) dst(%arg11 : memref<128x128xf32, #tpu.memory_space<vmem>>)
      %mul3A_400 = arith.constant 128 : i32
      %mul3A_401 = arith.muli %add3A_377, %mul3A_400 : i32
      %add3A_402 = arith.addi %mul3A_2, %mul3A_401 : i32
      %dma_start3A_403 = arith.constant 0 : i32
      %dma_start3A_404 = tpu.memref_slice %arg5[%add3A_402, %dma_start3A_403] : memref<819200x128xf32, #tpu.memory_space<hbm>> -> memref<128x128xf32, #tpu.memory_space<hbm>>
      %dma_start3A_405 = arith.constant 0 : i32
      %dma_start3A_406 = tpu.memref_slice %arg5[%add3A_402, %dma_start3A_405] : memref<819200x128xf32, #tpu.memory_space<hbm>> -> memref<128x128xf32, #tpu.memory_space<hbm>>
      tpu.enqueue_dma source(%arg11 : memref<128x128xf32, #tpu.memory_space<vmem>>) target(%dma_start3A_406 : memref<128x128xf32, #tpu.memory_space<hbm>>) target_semaphore(%arg32 : memref<!tpu.dma_semaphore, #tpu.memory_space<semaphore_mem>>)
      %sub3A_407 = arith.constant 2 : i32
      %sub3A_408 = arith.subi %add3A_377, %sub3A_407 : i32
      %mul3A_409 = arith.constant 128 : i32
      %mul3A_410 = arith.muli %sub3A_408, %mul3A_409 : i32
      %add3A_411 = arith.addi %mul3A_2, %mul3A_410 : i32
      %dma_wait3A_412 = arith.constant 0 : i32
      %dma_wait3A_413 = tpu.memref_slice %arg5[%add3A_411, %dma_wait3A_412] : memref<819200x128xf32, #tpu.memory_space<hbm>> -> memref<128x128xf32, #tpu.memory_space<hbm>>
      %dma_wait3A_414 = arith.constant 0 : i32
      %dma_wait3A_415 = tpu.memref_slice %arg5[%add3A_411, %dma_wait3A_414] : memref<819200x128xf32, #tpu.memory_space<hbm>> -> memref<128x128xf32, #tpu.memory_space<hbm>>
      tpu.wait_dma2 semaphore(%arg35 : memref<!tpu.dma_semaphore, #tpu.memory_space<semaphore_mem>>) src(%arg14 : memref<128x128xf32, #tpu.memory_space<vmem>>) dst(%dma_wait3A_415 : memref<128x128xf32, #tpu.memory_space<hbm>>)
      %add3A_416 = arith.constant 3 : i32
      %add3A_417 = arith.addi %add3A_377, %add3A_416 : i32
      %mul3A_418 = arith.constant 128 : i32
      %mul3A_419 = arith.muli %add3A_417, %mul3A_418 : i32
      %add3A_420 = arith.addi %mul3A_2, %mul3A_419 : i32
      %dma_start3A_421 = tpu.memref_slice %arg4[%add3A_420] : memref<819200xi32, #tpu.memory_space<hbm>> -> memref<128xi32, #tpu.memory_space<hbm>>
      %dma_start3A_422 = tpu.memref_slice %arg4[%add3A_420] : memref<819200xi32, #tpu.memory_space<hbm>> -> memref<128xi32, #tpu.memory_space<hbm>>
      tpu.enqueue_dma source(%dma_start3A_422 : memref<128xi32, #tpu.memory_space<hbm>>) target(%arg9 : memref<128xi32, #tpu.memory_space<vmem>>) target_semaphore(%arg25 : memref<!tpu.dma_semaphore, #tpu.memory_space<semaphore_mem>>)
      %mul3A_423 = arith.constant 128 : i32
      %mul3A_424 = arith.muli %add3A_417, %mul3A_423 : i32
      %add3A_425 = arith.addi %mul3A_2, %mul3A_424 : i32
      %dma_start3A_426 = arith.constant 0 : i32
      %dma_start3A_427 = tpu.memref_slice %arg2[%add3A_425, %dma_start3A_426] : memref<819200x128xf32, #tpu.memory_space<hbm>> -> memref<128x128xf32, #tpu.memory_space<hbm>>
      %dma_start3A_428 = arith.constant 0 : i32
      %dma_start3A_429 = tpu.memref_slice %arg2[%add3A_425, %dma_start3A_428] : memref<819200x128xf32, #tpu.memory_space<hbm>> -> memref<128x128xf32, #tpu.memory_space<hbm>>
      tpu.enqueue_dma source(%dma_start3A_429 : memref<128x128xf32, #tpu.memory_space<hbm>>) target(%arg14 : memref<128x128xf32, #tpu.memory_space<vmem>>) target_semaphore(%arg20 : memref<!tpu.dma_semaphore, #tpu.memory_space<semaphore_mem>>)
      %mul3A_430 = arith.constant 5 : i32
      %mul3A_431 = arith.muli %scan3A_198, %mul3A_430 : i32
      %add3A_432 = arith.constant 2 : i32
      %add3A_433 = arith.addi %add3A_432, %mul3A_431 : i32
      %add3A_434 = arith.constant 4 : i32
      %add3A_435 = arith.addi %add3A_433, %add3A_434 : i32
      %add3A_436 = arith.constant 1 : i32
      %add3A_437 = arith.addi %add3A_435, %add3A_436 : i32
      %mul3A_438 = arith.constant 128 : i32
      %mul3A_439 = arith.muli %add3A_437, %mul3A_438 : i32
      %add3A_440 = arith.addi %mul3A_2, %mul3A_439 : i32
      %dma_wait3A_441 = tpu.memref_slice %arg4[%add3A_440] : memref<819200xi32, #tpu.memory_space<hbm>> -> memref<128xi32, #tpu.memory_space<hbm>>
      %dma_wait3A_442 = tpu.memref_slice %arg4[%add3A_440] : memref<819200xi32, #tpu.memory_space<hbm>> -> memref<128xi32, #tpu.memory_space<hbm>>
      tpu.wait_dma2 semaphore(%arg24 : memref<!tpu.dma_semaphore, #tpu.memory_space<semaphore_mem>>) src(%dma_wait3A_442 : memref<128xi32, #tpu.memory_space<hbm>>) dst(%arg8 : memref<128xi32, #tpu.memory_space<vmem>>)
      %mul3A_443 = arith.constant 128 : i32
      %mul3A_444 = arith.muli %add3A_437, %mul3A_443 : i32
      %add3A_445 = arith.addi %mul3A_2, %mul3A_444 : i32
      %dma_wait3A_446 = arith.constant 0 : i32
      %dma_wait3A_447 = tpu.memref_slice %arg2[%add3A_445, %dma_wait3A_446] : memref<819200x128xf32, #tpu.memory_space<hbm>> -> memref<128x128xf32, #tpu.memory_space<hbm>>
      %dma_wait3A_448 = arith.constant 0 : i32
      %dma_wait3A_449 = tpu.memref_slice %arg2[%add3A_445, %dma_wait3A_448] : memref<819200x128xf32, #tpu.memory_space<hbm>> -> memref<128x128xf32, #tpu.memory_space<hbm>>
      tpu.wait_dma2 semaphore(%arg19 : memref<!tpu.dma_semaphore, #tpu.memory_space<semaphore_mem>>) src(%dma_wait3A_449 : memref<128x128xf32, #tpu.memory_space<hbm>>) dst(%arg13 : memref<128x128xf32, #tpu.memory_space<vmem>>)
      %add3A_450 = arith.constant 1 : i32
      %add3A_451 = arith.addi %add3A_435, %add3A_450 : i32
      %dma_start3A_452 = arith.constant 0 : i32
      %dma_start3A_453 = arith.constant 0 : i32
      %dma_start3A_454 = tpu.memref_slice %arg16[%dma_start3A_452, %dma_start3A_453] : memref<5000x128xf32, #tpu.memory_space<vmem_shared>> -> memref<5000x128xf32, #tpu.memory_space<vmem_shared>>
      tpu.enqueue_indirect_dma source(%dma_start3A_454 : memref<5000x128xf32, #tpu.memory_space<vmem_shared>>) target(%arg13 : memref<128x128xf32, #tpu.memory_space<vmem>>) offsets(%arg8 : memref<128xi32, #tpu.memory_space<vmem>>) semaphore(%arg29 : memref<!tpu.dma_semaphore, #tpu.memory_space<semaphore_mem>>) {add = true}
      %dma_wait3A_455 = arith.constant 0 : i32
      %dma_wait3A_456 = arith.constant 0 : i32
      %dma_wait3A_457 = tpu.memref_slice %arg16[%dma_wait3A_455, %dma_wait3A_456] : memref<5000x128xf32, #tpu.memory_space<vmem_shared>> -> memref<5000x128xf32, #tpu.memory_space<vmem_shared>>
      tpu.wait_indirect_dma semaphore(%arg28 : memref<!tpu.dma_semaphore, #tpu.memory_space<semaphore_mem>>) src(%dma_wait3A_457 : memref<5000x128xf32, #tpu.memory_space<vmem_shared>>) dst(%arg12 : memref<128x128xf32, #tpu.memory_space<vmem>>)
      %mul3A_458 = arith.constant 128 : i32
      %mul3A_459 = arith.muli %add3A_435, %mul3A_458 : i32
      %add3A_460 = arith.addi %mul3A_2, %mul3A_459 : i32
      %dma_start3A_461 = arith.constant 0 : i32
      %dma_start3A_462 = tpu.memref_slice %arg5[%add3A_460, %dma_start3A_461] : memref<819200x128xf32, #tpu.memory_space<hbm>> -> memref<128x128xf32, #tpu.memory_space<hbm>>
      %dma_start3A_463 = arith.constant 0 : i32
      %dma_start3A_464 = tpu.memref_slice %arg5[%add3A_460, %dma_start3A_463] : memref<819200x128xf32, #tpu.memory_space<hbm>> -> memref<128x128xf32, #tpu.memory_space<hbm>>
      tpu.enqueue_dma source(%arg12 : memref<128x128xf32, #tpu.memory_space<vmem>>) target(%dma_start3A_464 : memref<128x128xf32, #tpu.memory_space<hbm>>) target_semaphore(%arg33 : memref<!tpu.dma_semaphore, #tpu.memory_space<semaphore_mem>>)
      %sub3A_465 = arith.constant 2 : i32
      %sub3A_466 = arith.subi %add3A_435, %sub3A_465 : i32
      %mul3A_467 = arith.constant 128 : i32
      %mul3A_468 = arith.muli %sub3A_466, %mul3A_467 : i32
      %add3A_469 = arith.addi %mul3A_2, %mul3A_468 : i32
      %dma_wait3A_470 = arith.constant 0 : i32
      %dma_wait3A_471 = tpu.memref_slice %arg5[%add3A_469, %dma_wait3A_470] : memref<819200x128xf32, #tpu.memory_space<hbm>> -> memref<128x128xf32, #tpu.memory_space<hbm>>
      %dma_wait3A_472 = arith.constant 0 : i32
      %dma_wait3A_473 = tpu.memref_slice %arg5[%add3A_469, %dma_wait3A_472] : memref<819200x128xf32, #tpu.memory_space<hbm>> -> memref<128x128xf32, #tpu.memory_space<hbm>>
      tpu.wait_dma2 semaphore(%arg36 : memref<!tpu.dma_semaphore, #tpu.memory_space<semaphore_mem>>) src(%arg15 : memref<128x128xf32, #tpu.memory_space<vmem>>) dst(%dma_wait3A_473 : memref<128x128xf32, #tpu.memory_space<hbm>>)
      %add3A_474 = arith.constant 3 : i32
      %add3A_475 = arith.addi %add3A_435, %add3A_474 : i32
      %mul3A_476 = arith.constant 128 : i32
      %mul3A_477 = arith.muli %add3A_475, %mul3A_476 : i32
      %add3A_478 = arith.addi %mul3A_2, %mul3A_477 : i32
      %dma_start3A_479 = tpu.memref_slice %arg4[%add3A_478] : memref<819200xi32, #tpu.memory_space<hbm>> -> memref<128xi32, #tpu.memory_space<hbm>>
      %dma_start3A_480 = tpu.memref_slice %arg4[%add3A_478] : memref<819200xi32, #tpu.memory_space<hbm>> -> memref<128xi32, #tpu.memory_space<hbm>>
      tpu.enqueue_dma source(%dma_start3A_480 : memref<128xi32, #tpu.memory_space<hbm>>) target(%arg10 : memref<128xi32, #tpu.memory_space<vmem>>) target_semaphore(%arg26 : memref<!tpu.dma_semaphore, #tpu.memory_space<semaphore_mem>>)
      %mul3A_481 = arith.constant 128 : i32
      %mul3A_482 = arith.muli %add3A_475, %mul3A_481 : i32
      %add3A_483 = arith.addi %mul3A_2, %mul3A_482 : i32
      %dma_start3A_484 = arith.constant 0 : i32
      %dma_start3A_485 = tpu.memref_slice %arg2[%add3A_483, %dma_start3A_484] : memref<819200x128xf32, #tpu.memory_space<hbm>> -> memref<128x128xf32, #tpu.memory_space<hbm>>
      %dma_start3A_486 = arith.constant 0 : i32
      %dma_start3A_487 = tpu.memref_slice %arg2[%add3A_483, %dma_start3A_486] : memref<819200x128xf32, #tpu.memory_space<hbm>> -> memref<128x128xf32, #tpu.memory_space<hbm>>
      tpu.enqueue_dma source(%dma_start3A_487 : memref<128x128xf32, #tpu.memory_space<hbm>>) target(%arg15 : memref<128x128xf32, #tpu.memory_space<vmem>>) target_semaphore(%arg21 : memref<!tpu.dma_semaphore, #tpu.memory_space<semaphore_mem>>)
    }
    %scan3A_114 = arith.constant 29 : i32
    %add3A_115 = arith.constant 18944 : i32
    %add3A_116 = arith.addi %mul3A_2, %add3A_115 : i32
    %dma_wait3A_117 = tpu.memref_slice %arg4[%add3A_116] : memref<819200xi32, #tpu.memory_space<hbm>> -> memref<128xi32, #tpu.memory_space<hbm>>
    %dma_wait3A_118 = tpu.memref_slice %arg4[%add3A_116] : memref<819200xi32, #tpu.memory_space<hbm>> -> memref<128xi32, #tpu.memory_space<hbm>>
    tpu.wait_dma2 semaphore(%arg25 : memref<!tpu.dma_semaphore, #tpu.memory_space<semaphore_mem>>) src(%dma_wait3A_118 : memref<128xi32, #tpu.memory_space<hbm>>) dst(%arg9 : memref<128xi32, #tpu.memory_space<vmem>>)
    %add3A_119 = arith.constant 18944 : i32
    %add3A_120 = arith.addi %mul3A_2, %add3A_119 : i32
    %dma_wait3A_121 = arith.constant 0 : i32
    %dma_wait3A_122 = tpu.memref_slice %arg2[%add3A_120, %dma_wait3A_121] : memref<819200x128xf32, #tpu.memory_space<hbm>> -> memref<128x128xf32, #tpu.memory_space<hbm>>
    %dma_wait3A_123 = arith.constant 0 : i32
    %dma_wait3A_124 = tpu.memref_slice %arg2[%add3A_120, %dma_wait3A_123] : memref<819200x128xf32, #tpu.memory_space<hbm>> -> memref<128x128xf32, #tpu.memory_space<hbm>>
    tpu.wait_dma2 semaphore(%arg20 : memref<!tpu.dma_semaphore, #tpu.memory_space<semaphore_mem>>) src(%dma_wait3A_124 : memref<128x128xf32, #tpu.memory_space<hbm>>) dst(%arg14 : memref<128x128xf32, #tpu.memory_space<vmem>>)
    %dma_start3A_125 = arith.constant 0 : i32
    %dma_start3A_126 = arith.constant 0 : i32
    %dma_start3A_127 = tpu.memref_slice %arg16[%dma_start3A_125, %dma_start3A_126] : memref<5000x128xf32, #tpu.memory_space<vmem_shared>> -> memref<5000x128xf32, #tpu.memory_space<vmem_shared>>
    tpu.enqueue_indirect_dma source(%dma_start3A_127 : memref<5000x128xf32, #tpu.memory_space<vmem_shared>>) target(%arg14 : memref<128x128xf32, #tpu.memory_space<vmem>>) offsets(%arg9 : memref<128xi32, #tpu.memory_space<vmem>>) semaphore(%arg30 : memref<!tpu.dma_semaphore, #tpu.memory_space<semaphore_mem>>) {add = true}
    %dma_wait3A_128 = arith.constant 0 : i32
    %dma_wait3A_129 = arith.constant 0 : i32
    %dma_wait3A_130 = tpu.memref_slice %arg16[%dma_wait3A_128, %dma_wait3A_129] : memref<5000x128xf32, #tpu.memory_space<vmem_shared>> -> memref<5000x128xf32, #tpu.memory_space<vmem_shared>>
    tpu.wait_indirect_dma semaphore(%arg29 : memref<!tpu.dma_semaphore, #tpu.memory_space<semaphore_mem>>) src(%dma_wait3A_130 : memref<5000x128xf32, #tpu.memory_space<vmem_shared>>) dst(%arg13 : memref<128x128xf32, #tpu.memory_space<vmem>>)
    %add3A_131 = arith.constant 18816 : i32
    %add3A_132 = arith.addi %mul3A_2, %add3A_131 : i32
    %dma_start3A_133 = arith.constant 0 : i32
    %dma_start3A_134 = tpu.memref_slice %arg5[%add3A_132, %dma_start3A_133] : memref<819200x128xf32, #tpu.memory_space<hbm>> -> memref<128x128xf32, #tpu.memory_space<hbm>>
    %dma_start3A_135 = arith.constant 0 : i32
    %dma_start3A_136 = tpu.memref_slice %arg5[%add3A_132, %dma_start3A_135] : memref<819200x128xf32, #tpu.memory_space<hbm>> -> memref<128x128xf32, #tpu.memory_space<hbm>>
    tpu.enqueue_dma source(%arg13 : memref<128x128xf32, #tpu.memory_space<vmem>>) target(%dma_start3A_136 : memref<128x128xf32, #tpu.memory_space<hbm>>) target_semaphore(%arg34 : memref<!tpu.dma_semaphore, #tpu.memory_space<semaphore_mem>>)
    %add3A_137 = arith.constant 18560 : i32
    %add3A_138 = arith.addi %mul3A_2, %add3A_137 : i32
    %dma_wait3A_139 = arith.constant 0 : i32
    %dma_wait3A_140 = tpu.memref_slice %arg5[%add3A_138, %dma_wait3A_139] : memref<819200x128xf32, #tpu.memory_space<hbm>> -> memref<128x128xf32, #tpu.memory_space<hbm>>
    %dma_wait3A_141 = arith.constant 0 : i32
    %dma_wait3A_142 = tpu.memref_slice %arg5[%add3A_138, %dma_wait3A_141] : memref<819200x128xf32, #tpu.memory_space<hbm>> -> memref<128x128xf32, #tpu.memory_space<hbm>>
    tpu.wait_dma2 semaphore(%arg32 : memref<!tpu.dma_semaphore, #tpu.memory_space<semaphore_mem>>) src(%arg11 : memref<128x128xf32, #tpu.memory_space<vmem>>) dst(%dma_wait3A_142 : memref<128x128xf32, #tpu.memory_space<hbm>>)
    %add3A_143 = arith.constant 19072 : i32
    %add3A_144 = arith.addi %mul3A_2, %add3A_143 : i32
    %dma_wait3A_145 = tpu.memref_slice %arg4[%add3A_144] : memref<819200xi32, #tpu.memory_space<hbm>> -> memref<128xi32, #tpu.memory_space<hbm>>
    %dma_wait3A_146 = tpu.memref_slice %arg4[%add3A_144] : memref<819200xi32, #tpu.memory_space<hbm>> -> memref<128xi32, #tpu.memory_space<hbm>>
    tpu.wait_dma2 semaphore(%arg26 : memref<!tpu.dma_semaphore, #tpu.memory_space<semaphore_mem>>) src(%dma_wait3A_146 : memref<128xi32, #tpu.memory_space<hbm>>) dst(%arg10 : memref<128xi32, #tpu.memory_space<vmem>>)
    %add3A_147 = arith.constant 19072 : i32
    %add3A_148 = arith.addi %mul3A_2, %add3A_147 : i32
    %dma_wait3A_149 = arith.constant 0 : i32
    %dma_wait3A_150 = tpu.memref_slice %arg2[%add3A_148, %dma_wait3A_149] : memref<819200x128xf32, #tpu.memory_space<hbm>> -> memref<128x128xf32, #tpu.memory_space<hbm>>
    %dma_wait3A_151 = arith.constant 0 : i32
    %dma_wait3A_152 = tpu.memref_slice %arg2[%add3A_148, %dma_wait3A_151] : memref<819200x128xf32, #tpu.memory_space<hbm>> -> memref<128x128xf32, #tpu.memory_space<hbm>>
    tpu.wait_dma2 semaphore(%arg21 : memref<!tpu.dma_semaphore, #tpu.memory_space<semaphore_mem>>) src(%dma_wait3A_152 : memref<128x128xf32, #tpu.memory_space<hbm>>) dst(%arg15 : memref<128x128xf32, #tpu.memory_space<vmem>>)
    %dma_start3A_153 = arith.constant 0 : i32
    %dma_start3A_154 = arith.constant 0 : i32
    %dma_start3A_155 = tpu.memref_slice %arg16[%dma_start3A_153, %dma_start3A_154] : memref<5000x128xf32, #tpu.memory_space<vmem_shared>> -> memref<5000x128xf32, #tpu.memory_space<vmem_shared>>
    tpu.enqueue_indirect_dma source(%dma_start3A_155 : memref<5000x128xf32, #tpu.memory_space<vmem_shared>>) target(%arg15 : memref<128x128xf32, #tpu.memory_space<vmem>>) offsets(%arg10 : memref<128xi32, #tpu.memory_space<vmem>>) semaphore(%arg31 : memref<!tpu.dma_semaphore, #tpu.memory_space<semaphore_mem>>) {add = true}
    %dma_wait3A_156 = arith.constant 0 : i32
    %dma_wait3A_157 = arith.constant 0 : i32
    %dma_wait3A_158 = tpu.memref_slice %arg16[%dma_wait3A_156, %dma_wait3A_157] : memref<5000x128xf32, #tpu.memory_space<vmem_shared>> -> memref<5000x128xf32, #tpu.memory_space<vmem_shared>>
    tpu.wait_indirect_dma semaphore(%arg30 : memref<!tpu.dma_semaphore, #tpu.memory_space<semaphore_mem>>) src(%dma_wait3A_158 : memref<5000x128xf32, #tpu.memory_space<vmem_shared>>) dst(%arg14 : memref<128x128xf32, #tpu.memory_space<vmem>>)
    %add3A_159 = arith.constant 18944 : i32
    %add3A_160 = arith.addi %mul3A_2, %add3A_159 : i32
    %dma_start3A_161 = arith.constant 0 : i32
    %dma_start3A_162 = tpu.memref_slice %arg5[%add3A_160, %dma_start3A_161] : memref<819200x128xf32, #tpu.memory_space<hbm>> -> memref<128x128xf32, #tpu.memory_space<hbm>>
    %dma_start3A_163 = arith.constant 0 : i32
    %dma_start3A_164 = tpu.memref_slice %arg5[%add3A_160, %dma_start3A_163] : memref<819200x128xf32, #tpu.memory_space<hbm>> -> memref<128x128xf32, #tpu.memory_space<hbm>>
    tpu.enqueue_dma source(%arg14 : memref<128x128xf32, #tpu.memory_space<vmem>>) target(%dma_start3A_164 : memref<128x128xf32, #tpu.memory_space<hbm>>) target_semaphore(%arg35 : memref<!tpu.dma_semaphore, #tpu.memory_space<semaphore_mem>>)
    %add3A_165 = arith.constant 18688 : i32
    %add3A_166 = arith.addi %mul3A_2, %add3A_165 : i32
    %dma_wait3A_167 = arith.constant 0 : i32
    %dma_wait3A_168 = tpu.memref_slice %arg5[%add3A_166, %dma_wait3A_167] : memref<819200x128xf32, #tpu.memory_space<hbm>> -> memref<128x128xf32, #tpu.memory_space<hbm>>
    %dma_wait3A_169 = arith.constant 0 : i32
    %dma_wait3A_170 = tpu.memref_slice %arg5[%add3A_166, %dma_wait3A_169] : memref<819200x128xf32, #tpu.memory_space<hbm>> -> memref<128x128xf32, #tpu.memory_space<hbm>>
    tpu.wait_dma2 semaphore(%arg33 : memref<!tpu.dma_semaphore, #tpu.memory_space<semaphore_mem>>) src(%arg12 : memref<128x128xf32, #tpu.memory_space<vmem>>) dst(%dma_wait3A_170 : memref<128x128xf32, #tpu.memory_space<hbm>>)
    %dma_wait3A_171 = arith.constant 0 : i32
    %dma_wait3A_172 = arith.constant 0 : i32
    %dma_wait3A_173 = tpu.memref_slice %arg16[%dma_wait3A_171, %dma_wait3A_172] : memref<5000x128xf32, #tpu.memory_space<vmem_shared>> -> memref<5000x128xf32, #tpu.memory_space<vmem_shared>>
    tpu.wait_indirect_dma semaphore(%arg31 : memref<!tpu.dma_semaphore, #tpu.memory_space<semaphore_mem>>) src(%dma_wait3A_173 : memref<5000x128xf32, #tpu.memory_space<vmem_shared>>) dst(%arg15 : memref<128x128xf32, #tpu.memory_space<vmem>>)
    %add3A_174 = arith.constant 19072 : i32
    %add3A_175 = arith.addi %mul3A_2, %add3A_174 : i32
    %dma_start3A_176 = arith.constant 0 : i32
    %dma_start3A_177 = tpu.memref_slice %arg5[%add3A_175, %dma_start3A_176] : memref<819200x128xf32, #tpu.memory_space<hbm>> -> memref<128x128xf32, #tpu.memory_space<hbm>>
    %dma_start3A_178 = arith.constant 0 : i32
    %dma_start3A_179 = tpu.memref_slice %arg5[%add3A_175, %dma_start3A_178] : memref<819200x128xf32, #tpu.memory_space<hbm>> -> memref<128x128xf32, #tpu.memory_space<hbm>>
    tpu.enqueue_dma source(%arg15 : memref<128x128xf32, #tpu.memory_space<vmem>>) target(%dma_start3A_179 : memref<128x128xf32, #tpu.memory_space<hbm>>) target_semaphore(%arg36 : memref<!tpu.dma_semaphore, #tpu.memory_space<semaphore_mem>>)
    %add3A_180 = arith.constant 18816 : i32
    %add3A_181 = arith.addi %mul3A_2, %add3A_180 : i32
    %dma_wait3A_182 = arith.constant 0 : i32
    %dma_wait3A_183 = tpu.memref_slice %arg5[%add3A_181, %dma_wait3A_182] : memref<819200x128xf32, #tpu.memory_space<hbm>> -> memref<128x128xf32, #tpu.memory_space<hbm>>
    %dma_wait3A_184 = arith.constant 0 : i32
    %dma_wait3A_185 = tpu.memref_slice %arg5[%add3A_181, %dma_wait3A_184] : memref<819200x128xf32, #tpu.memory_space<hbm>> -> memref<128x128xf32, #tpu.memory_space<hbm>>
    tpu.wait_dma2 semaphore(%arg34 : memref<!tpu.dma_semaphore, #tpu.memory_space<semaphore_mem>>) src(%arg13 : memref<128x128xf32, #tpu.memory_space<vmem>>) dst(%dma_wait3A_185 : memref<128x128xf32, #tpu.memory_space<hbm>>)
    %add3A_186 = arith.constant 18944 : i32
    %add3A_187 = arith.addi %mul3A_2, %add3A_186 : i32
    %dma_wait3A_188 = arith.constant 0 : i32
    %dma_wait3A_189 = tpu.memref_slice %arg5[%add3A_187, %dma_wait3A_188] : memref<819200x128xf32, #tpu.memory_space<hbm>> -> memref<128x128xf32, #tpu.memory_space<hbm>>
    %dma_wait3A_190 = arith.constant 0 : i32
    %dma_wait3A_191 = tpu.memref_slice %arg5[%add3A_187, %dma_wait3A_190] : memref<819200x128xf32, #tpu.memory_space<hbm>> -> memref<128x128xf32, #tpu.memory_space<hbm>>
    tpu.wait_dma2 semaphore(%arg35 : memref<!tpu.dma_semaphore, #tpu.memory_space<semaphore_mem>>) src(%arg14 : memref<128x128xf32, #tpu.memory_space<vmem>>) dst(%dma_wait3A_191 : memref<128x128xf32, #tpu.memory_space<hbm>>)
    %add3A_192 = arith.constant 19072 : i32
    %add3A_193 = arith.addi %mul3A_2, %add3A_192 : i32
    %dma_wait3A_194 = arith.constant 0 : i32
    %dma_wait3A_195 = tpu.memref_slice %arg5[%add3A_193, %dma_wait3A_194] : memref<819200x128xf32, #tpu.memory_space<hbm>> -> memref<128x128xf32, #tpu.memory_space<hbm>>
    %dma_wait3A_196 = arith.constant 0 : i32
    %dma_wait3A_197 = tpu.memref_slice %arg5[%add3A_193, %dma_wait3A_196] : memref<819200x128xf32, #tpu.memory_space<hbm>> -> memref<128x128xf32, #tpu.memory_space<hbm>>
    tpu.wait_dma2 semaphore(%arg36 : memref<!tpu.dma_semaphore, #tpu.memory_space<semaphore_mem>>) src(%arg15 : memref<128x128xf32, #tpu.memory_space<vmem>>) dst(%dma_wait3A_197 : memref<128x128xf32, #tpu.memory_space<hbm>>)
    return
  }
}

module attributes {stable_mosaic.version = 14 : i64} {
  func.func @body(%arg0: i32, %arg1: memref<16x128xi32, #tpu.memory_space<vmem>>, %arg2: memref<16x128x128xf32, #tpu.memory_space<vmem>>, %arg3: memref<1x2x128xf32, #tpu.memory_space<vmem>>, %arg4: memref<16x128x128xf32, #tpu.memory_space<vmem>>) attributes {dimension_semantics = [#tpu.dimension_semantics<arbitrary>], iteration_bounds = array<i64: 100>, scalar_prefetch = 0 : i64, scratch_operands = 0 : i64, tpu.core_type = #tpu.core_type<tc>, window_params = [{transform_indices = @transform_0, window_bounds = array<i64: 16, 128>}, {transform_indices = @transform_1, window_bounds = array<i64: 16, 128, 128>}, {pipeline_mode = #tpu.pipeline_mode<synchronous>, transform_indices = @transform_2, window_bounds = array<i64: 1, 2, 128>}, {transform_indices = @transform_3, window_bounds = array<i64: 16, 128, 128>}]} {
    %get3A = arith.constant 0 : index
    %get3A_0 = arith.constant 0 : index
    %get3A_1 = vector.load %arg1[%get3A, %get3A_0] : memref<16x128xi32, #tpu.memory_space<vmem>>, vector<16x128xi32>
    %convert_element_type3A = arith.sitofp %get3A_1 : vector<16x128xi32> to vector<16x128xf32>
    %get3A_2 = arith.constant 0 : index
    %get3A_3 = arith.constant 0 : index
    %get3A_4 = arith.constant 0 : index
    %get3A_5 = vector.load %arg3[%get3A_2, %get3A_3, %get3A_4] : memref<1x2x128xf32, #tpu.memory_space<vmem>>, vector<1x1x128xf32>
    %get3A_6 = arith.constant 0 : index
    %get3A_7 = arith.constant 1 : index
    %get3A_8 = arith.constant 0 : index
    %get3A_9 = vector.load %arg3[%get3A_6, %get3A_7, %get3A_8] : memref<1x2x128xf32, #tpu.memory_space<vmem>>, vector<1x1x128xf32>
    %broadcast_in_dim3A = vector.shape_cast %convert_element_type3A : vector<16x128xf32> to vector<16x128x1xf32>
    %mul3A = vector.broadcast %broadcast_in_dim3A : vector<16x128x1xf32> to vector<16x128x128xf32>
    %mul3A_10 = vector.broadcast %get3A_5 : vector<1x1x128xf32> to vector<16x128x128xf32>
    %mul3A_11 = arith.mulf %mul3A, %mul3A_10 : vector<16x128x128xf32>
    %add3A = vector.broadcast %get3A_9 : vector<1x1x128xf32> to vector<16x128x128xf32>
    %add3A_12 = arith.addf %mul3A_11, %add3A : vector<16x128x128xf32>
    %get3A_13 = arith.constant 0 : index
    %get3A_14 = arith.constant 0 : index
    %get3A_15 = arith.constant 0 : index
    %get3A_16 = vector.load %arg2[%get3A_13, %get3A_14, %get3A_15] : memref<16x128x128xf32, #tpu.memory_space<vmem>>, vector<16x128x128xf32>
    %sin3A = math.sin %add3A_12 : vector<16x128x128xf32>
    %add3A_17 = arith.addf %get3A_16, %sin3A : vector<16x128x128xf32>
    %swap3A = arith.constant 0 : index
    %swap3A_18 = arith.constant 0 : index
    %swap3A_19 = arith.constant 0 : index
    %swap3A_20 = vector.load %arg4[%swap3A, %swap3A_18, %swap3A_19] : memref<16x128x128xf32, #tpu.memory_space<vmem>>, vector<16x128x128xf32>
    tpu.vector_store %arg4[%swap3A, %swap3A_18, %swap3A_19], %add3A_17 {strides = array<i32>} : memref<16x128x128xf32, #tpu.memory_space<vmem>>, vector<16x128x128xf32>,
    return
  }
  func.func @transform_0(%arg0: i32) -> (i32, i32) {
    %add3A = arith.constant 300 : i32
    %add3A_0 = arith.addi %add3A, %arg0 : i32
    %c0_i32 = arith.constant 0 : i32
    %c0_i32_1 = arith.constant 0 : i32
    return %add3A_0, %c0_i32 : i32, i32
  }
  func.func @transform_1(%arg0: i32) -> (i32, i32, i32) {
    %add3A = arith.constant 300 : i32
    %add3A_0 = arith.addi %add3A, %arg0 : i32
    %c0_i32 = arith.constant 0 : i32
    %c0_i32_1 = arith.constant 0 : i32
    %c0_i32_2 = arith.constant 0 : i32
    return %add3A_0, %c0_i32, %c0_i32_1 : i32, i32, i32
  }
  func.func @transform_2(%arg0: i32) -> (i32, i32, i32) {
    %c0_i32 = arith.constant 0 : i32
    %c0_i32_0 = arith.constant 0 : i32
    %c0_i32_1 = arith.constant 0 : i32
    %c0_i32_2 = arith.constant 0 : i32
    return %c0_i32, %c0_i32_0, %c0_i32_1 : i32, i32, i32
  }
  func.func @transform_3(%arg0: i32) -> (i32, i32, i32) {
    %c0_i32 = arith.constant 0 : i32
    %c0_i32_0 = arith.constant 0 : i32
    %c0_i32_1 = arith.constant 0 : i32
    return %arg0, %c0_i32, %c0_i32_0 : i32, i32, i32
  }
}

</mosaic_0001>

<sc_bundles>
// kernel: kernel.4.cloned.1.call-start
scs
__scs_entry_jumppad:
0x0: {  	(pc) =	sbr.rel $0x88, $3  }
0x1: {  	(tag) =	ssettag $0x0;
	lr =	simm.s32 $0x1  }
0x2: {  	[smem:$0x3F9F] =	sst lr;
	_ =	strace $0xD0000000  }
0x3: {  	_ = 	snop  }
0x4: {  	_ = 	snop  }
0x5: {  	_ = 	snop  }
0x6: {  	_ = 	snop  }
0x7: {  	_ = 	snop  }
__scs_overlays_trampoline_lowered:
0x8: {  	[smem:$0x3FAE] =	sst s0  }
0x9: {  	[smem:$0x3FAF] =	sst s1  }
0xa: {  	[smem:$0x3FB0] =	sst s2  }
0xb: {  	[smem:$0x3FB1] =	sst s3  }
0xc: {  	[smem:$0x3FB2] =	sst s4  }
0xd: {  	[smem:$0x3FB3] =	sst s5  }
0xe: {  	[smem:$0x3FB4] =	sst s6  }
0xf: {  	[smem:$0x3FB5] =	sst s7  }
0x10: {  	[smem:$0x3FB6] =	sst s8  }
0x11: {  	[smem:$0x3FB7] =	sst s9;
	s0 =	simm.s32 @!p0 $0x0  }
0x12: {  	s1 =	sld [smem:$0x3F9D];
	s0 =	simm.s32 @p0 $0x1  }
0x13: {  	[smem:$0x3FB8] =	sst s0;
	s0 =	simm.s32 @!p1 $0x0  }
0x14: {  	s2 =	sld [smem:$0x3F9C];
	s0 =	simm.s32 @p1 $0x1  }
0x15: {  	[smem:$0x3FB9] =	sst s0;
	s0 =	simm.s32 @!p2 $0x0  }
0x16: {  	s3 =	sld [smem:$0x3FDB];
	s0 =	simm.s32 @p2 $0x1  }
0x17: {  	s4 =	simm.s32 $0x1BF5;
	[smem:$0x3FBB] =	sst s0  }
0x18: {  	s0 =	sld [smem:$0x3F9E];
	_ =	swait.ge [sflag:s4], $0x0  }
0x19: {  	s7 =	sld [smem:$0x3F9F]  }
0x1a: {  	s8 =	sadd.s32 $0xFFFFE003, lr  }
0x1b: {  	s9 =	sadd.s32 $0xFFFFFEF7, lr;
	s5 =	simm.s32 $0xFFFFFFFF;
	p2 =	slt.u32 s8, $0xFFFFF086  }
0x1c: {  	p1 =	slt.u32 s9, $0xF7A;
	s5 =	simm.s32 @!p2 $0x0  }
0x1d: {  	s5 =	simm.s32 @p1 $0x1;
	p0 =	seq.s32 s7, s2  }
0x1e: {  	s7 =	smul.u32 @!p0 $0xF7A, s2;
	p2 =	seq.s32 @!p0 s5, $0x0  }
0x1f: {  	s9 =	smul.u32 $0xF7A, s1;
	s8 =	simm.s32 @!p0 $0x1BF5;
	p2 =	por !p2, p0  }
0x20: {  	[sflag:s8] =	ssyncset.s32 @!p0 $0xFFFFF086;
	s6 =	sadd.s32 @!p0 s3, s7;
	s7 =	simm.s32 @!p0 $0x108  }
0x21: {  	s3 =	sadd.s32 s3, s9;
	s6 =	sadd.s32 @!p0 $0x88, s6;
	s7 =	simm.s32 @p2 $0x1082  }
0x22: {  	[simem:s7], [sflag:s8] =	dma.local @!p0 [hbm:s6], $0xF7A  }
0x23: {  	s9 =	sor.u32 $0xD0000000, s2;
	s6 =	simm.s32 $0x108;
	_ =	swait.ge @!p0 [sflag:s8], $0x0  }
0x24: {  	s3 =	sadd.s32 $0x88, s3;
	s6 =	simm.s32 @!p1 $0x1082;
	[sflag:s4] =	ssyncset.s32 $0xFFFFF086  }
0x25: {  	[simem:s6], [sflag:s4] =	dma.local [hbm:s3], $0xF7A  }
0x26: {  	[smem:$0x3F9F] =	sst s1;
	(tag) =	ssettag s2;
	_ =	strace s9  }
0x27: {  	s1 =	sld [smem:$0x3FAF]  }
0x28: {  	s2 =	sld [smem:$0x3FB0]  }
0x29: {  	s4 =	sld [smem:$0x3FB2]  }
0x2a: {  	p0 =	seq.s32 s5, $0x0;
	s5 =	sld [smem:$0x3FB3]  }
0x2b: {  	s6 =	sld [smem:$0x3FB4]  }
0x2c: {  	s7 =	sld [smem:$0x3FB5]  }
0x2d: {  	s3 =	simm.s32 $0x108;
	s8 =	sld [smem:$0x3FB6]  }
0x2e: {  	s3 =	simm.s32 @!p0 $0x1082;
	s9 =	sld [smem:$0x3FB7]  }
0x2f: {  	lr =	sadd.s32 s0, s3;
	s0 =	sld [smem:$0x3FAE]  }
0x30: {  	s3 =	sld [smem:$0x3FB1]  }
0x31: {  	[smem:$0x3FBA] =	sst s10  }
0x32: {  	s10 =	sld [smem:$0x3FB8];
	_ =	sdelay $0x3  }
0x33: {  	p0 =	seq.s32 s10, $0x1;
	s10 =	sld [smem:$0x3FBA];
	_ =	sdelay $0x3  }
0x34: {  	[smem:$0x3FBA] =	sst s10  }
0x35: {  	s10 =	sld [smem:$0x3FB9];
	_ =	sdelay $0x3  }
0x36: {  	p1 =	seq.s32 s10, $0x1;
	s10 =	sld [smem:$0x3FBA];
	_ =	sdelay $0x3  }
0x37: {  	[smem:$0x3FBA] =	sst s10  }
0x38: {  	s10 =	sld [smem:$0x3FBB]  }
0x39: {  	_ = 	snop;
	(pc) =	sbr.ind lr, $3  }
0x3a: {  	_ = 	snop  }
0x3b: {  	_ = 	snop  }
0x3c: {  	p2 =	seq.s32 s10, $0x1;
	s10 =	sld [smem:$0x3FBA]  }
0x3d: {  	_ =	shalt  }
0x3e: {  	_ =	shalt  }
0x3f: {  	_ =	shalt  }
0x40: {  	_ =	shalt  }
0x41: {  	_ =	shalt  }
0x42: {  	_ =	shalt  }
0x43: {  	_ =	shalt  }
0x44: {  	_ =	shalt  }
0x45: {  	_ =	shalt  }
0x46: {  	_ =	shalt  }
0x47: {  	_ =	shalt  }
0x48: {  	_ =	shalt  }
0x49: {  	_ =	shalt  }
0x4a: {  	_ =	shalt  }
0x4b: {  	_ =	shalt  }
0x4c: {  	_ =	shalt  }
0x4d: {  	_ =	shalt  }
0x4e: {  	_ =	shalt  }
0x4f: {  	_ =	shalt  }
0x50: {  	_ =	shalt  }
0x51: {  	_ =	shalt  }
0x52: {  	_ =	shalt  }
0x53: {  	_ =	shalt  }
0x54: {  	_ =	shalt  }
0x55: {  	_ =	shalt  }
0x56: {  	_ =	shalt  }
0x57: {  	_ =	shalt  }
0x58: {  	_ =	shalt  }
0x59: {  	_ =	shalt  }
0x5a: {  	_ =	shalt  }
0x5b: {  	_ =	shalt  }
0x5c: {  	_ =	shalt  }
0x5d: {  	_ =	shalt  }
0x5e: {  	_ =	shalt  }
0x5f: {  	_ =	shalt  }
0x60: {  	_ =	shalt  }
0x61: {  	_ =	shalt  }
0x62: {  	_ =	shalt  }
0x63: {  	_ =	shalt  }
0x64: {  	_ =	shalt  }
0x65: {  	_ =	shalt  }
0x66: {  	_ =	shalt  }
0x67: {  	_ =	shalt  }
0x68: {  	_ =	shalt  }
0x69: {  	_ =	shalt  }
0x6a: {  	_ =	shalt  }
0x6b: {  	_ =	shalt  }
0x6c: {  	_ =	shalt  }
0x6d: {  	_ =	shalt  }
0x6e: {  	_ =	shalt  }
0x6f: {  	_ =	shalt  }
0x70: {  	_ =	shalt  }
0x71: {  	_ =	shalt  }
0x72: {  	_ =	shalt  }
0x73: {  	_ =	shalt  }
0x74: {  	_ =	shalt  }
0x75: {  	_ =	shalt  }
0x76: {  	_ =	shalt  }
0x77: {  	_ =	shalt  }
0x78: {  	_ =	shalt  }
0x79: {  	_ =	shalt  }
0x7a: {  	_ =	shalt  }
0x7b: {  	_ =	shalt  }
0x7c: {  	_ =	shalt  }
0x7d: {  	_ =	shalt  }
0x7e: {  	_ =	shalt  }
0x7f: {  	_ =	shalt  }
0x80: {  	_ =	shalt  }
0x81: {  	_ =	shalt  }
0x82: {  	_ =	shalt  }
0x83: {  	_ =	shalt  }
0x84: {  	_ =	shalt  }
0x85: {  	_ =	shalt  }
0x86: {  	_ =	shalt  }
0x87: {  	_ =	shalt  }
.Lfunc_end0:
.L_simem_size_0:
called_computation_lowered:
.L_overlay_start_0:
0x88: {  	s2 =	sld [smem:$0x3FD9]  }
0x89: {  	s3 =	sld [smem:$0x3FFE];
	_ =	sdelay $0x1  }
0x8a: {  	s1 =	srdreg.scid  }
0x8b: {  	s0 =	sand.u32 $0x1, s1  }
0x8c: {  	s17 =	sshll.u32 s0, $0xA;
	s2 =	sadd.s32 s3, s2  }
0x8d: {  	s2 =	sadd.s32 s2, s17  }
0x8e: {  	[smem:$0x3FC6] =	sst s2  }
0x8f: {  	_ = 	snop  }
0x90: {  	s2 =	sld [smem:$0x3FC9]  }
0x91: {  	s18 =	sld [smem:$0x3FD0];
	(tm) =	ssettm $0x1  }
0x92: {  	s4 =	sld [smem:$0x3FFB];
	_ =	sdelay $0x3  }
0x93: {  	_ =	strace s4  }
0x94: {  	s4 =	sld [smem:$0x3FFC];
	_ =	sdelay $0x3  }
0x95: {  	_ =	strace s4  }
0x96: {  	s4 =	sld [smem:$0x3FFD];
	_ =	sdelay $0x3  }
0x97: {  	_ =	strace s4  }
0x98: {  	_ =	strace $0x8FFFFFFF  }
0x99: {  	s19 =	sld [smem:$0x3FDB];
	_ =	sdelay $0x1  }
0x9a: {  	s5 =	simm.s32 $_scs_section_size  }
0x9b: {  	s6 =	simm.s32 $_size__tile_overlayer_lowered;
	s7 =	simm.s32 $_tile_overlayer_lowered  }
0x9c: {  	s22 =	simm.s32 $0x1BFF;
	s21 =	sshll.u32 s7, $0x1;
	s4 =	sadd.s32 s5, s19  }
0x9d: {  	s8 =	simm.s32 $0x0;
	s20 =	sshll.u32 s6, $0x1;
	s6 =	sadd.s32 s21, s4  }
0x9e: {  	[timem:s8], [sflag:s22] =	dma.local [hbm:s6], s20  }
0x9f: {  	_ =	swait.ge [sflag:s22], s20  }
0xa0: {  	s5 =	ssub.s32 $0x0, s20;
	[sflag:s22] =	ssyncset.done $0x0  }
0xa1: {  	[sflag:s22] =	ssyncadd.s32 s5;
	_ =	sdelay $0x1  }
0xa2: {  	s23 =	simm.s32 $0x1B8B  }
0xa3: {  	_ =	swait.ge [sflag:s23], $0x1  }
0xa4: {  	[sflag:s23] =	ssyncset.done $0x0  }
0xa5: {  	s25 =	simm.s32 $0x1B8E;
	s24 =	sld [smem:$0x3FFE];
	[sflag:s23] =	ssyncadd.s32 $0xFFFFFFFF  }
0xa6: {  	s26 =	simm.s32 $execute0_lowered;
	[smem:$0x3FD2] =	sst s25  }
0xa7: {  	s6 =	sshll.u32 s26, $0x1;
	_ =	strace $0x80000046;
	[dreg:$0x1] =	wrdreg $0xFFFFFFFF  }
0xa8: {  	s28 =	simm.s32 $_size_execute0_lowered;
	s4 =	sadd.s32 s4, s6;
	[dreg:$0x0] =	wrdreg $0x0  }
0xa9: {  	s6 =	sshll.u32 s28, $0x1;
	[dreg:$0x2] =	wrdreg s4  }
0xaa: {  	[dreg:$0x3] =	wrdreg s6  }
0xab: {  	[dreg:$0x4] =	wrdreg $0xC0  }
0xac: {  	_ =	task [dreg:s8], $0x5FFFF  }
0xad: {  	[dreg:$0x1] =	wrdreg $0xFFFFFFFF  }
0xae: {  	[dreg:$0x0] =	wrdreg $0x60  }
0xaf: {  	[dreg:$0x2] =	wrdreg s2  }
0xb0: {  	[dreg:$0x3] =	wrdreg s24  }
0xb1: {  	[dreg:$0x4] =	wrdreg s18  }
0xb2: {  	[dreg:$0x5] =	wrdreg $0x142800  }
0xb3: {  	[dreg:$0x6] =	wrdreg $0x9  }
0xb4: {  	_ =	task.clear_ibuf [dreg:s8], $0x7FFFF;
	_ =	strace $0x90000046  }
0xb5: {  	s29 =	simm.s32 $0x9;
	_ =	strace $0x80000048  }
0xb6: {  	_ =	swait.ge [sflag:s29], $0x1  }
0xb7: {  	[sflag:s29] =	ssyncadd.s32 $0xFFFFFFFF  }
0xb8: {  	_ =	strace $0x90000048  }
0xb9: {  	_ =	sfence  }
0xba: {  	s30 =	sld [smem:$0x0];
	_ =	sdelay $0x2  }
0xbb: {  	s31 =	sshll.u32 s1, $0xD;
	s1 =	sshrl.u32 s1, $0x2  }
0xbc: {  	s3 =	sand.u32 $0x4000, s31;
	s1 =	sadd.s32 s1, s30  }
0xbd: {  	s0 =	sor.u32 s3, s0;
	s1 =	sshll.u32 s1, $0x11  }
0xbe: {  	s0 =	sor.u32 s1, s0  }
0xbf: {  	s0 =	sadd.s32 $0x8F2B, s0  }
0xc0: {  	[sflag:s0] =	ssyncadd.remote.s32 $0x1  }
0xc1: {  	_ =	sfence.sel $0xFFFF  }
0xc2: {  	[dreg:$0x0] =	wrdreg $0xFFFFFFFF;
	(pc) =	sbr.abs _section_cstart, $3  }
0xc3: {  	[dreg:$0x1] =	wrdreg $0xFFFFFFFF  }
0xc4: {  	_ =	task.clear_ibuf [dreg:s8], $0x2FFFF;
	_ =	strace $0x9FFFFFFF  }
0xc5: {  	(tm) =	ssettm $0x7FFFFFFF  }
tec
execute0_lowered:
.L_overlay_start_1:
0x0: {  	(tag) =	ssettag $0x1  }
0x1: {  	s3 =	rddreg [dreg:$0x0]  }
0x2: {  	s4 =	rddreg [dreg:$0x1]  }
0x3: {  	s5 =	rddreg [dreg:$0x2]  }
0x4: {  	s1 =	rddreg [dreg:$0x3]  }
0x5: {  	s6 =	srdreg.scid;
	s0 =	stileid.u32  }
0x6: {  	s2 =	simm.s32 $0x0;
	s28 =	simm.s32 $0x80;
	s15 =	smul.u32 $0x96000, s0  }
0x7: {  	s6 =	sand.u32 $0x1, s6;
	s7 =	sshll.u32 s0, $0x1;
	s17 =	smul.u32 $0x9600, s0  }
0x8: {  	[smem:$0x7FF] =	sst s2;
	s9 =	sadd.s32 $0x39A00, s4;
	s16 =	smul.u32 $0x4B000, s6  }
0x9: {  	s7 =	sor.u32 s6, s7;
	s21 =	ssub.s32 $0x2, s6;
	s6 =	smul.u32 $0x4B00, s6  }
0xa: {  	s26 =	sadd.s32 $0x20A00, s4;
	p0 =	sne.s32 s0, $0x0;
	s8 =	smul.u32 $0x4B00, s7  }
0xb: {  	_ =	strace $0x80000047;
	s22 =	sshrl.u32 s21, $0x1;
	s11 =	smul.u32 $0x4B000, s7  }
0xc: {  	[dreg:$0x7] =	wrdreg s9;
	s7 =	smul.u32 $0x258000, s7;
	s4 =	ssub.s32 s21, s22  }
0xd: {  	s19 =	sadd.s32 s6, s17;
	s22 =	sadd.s32 s15, s5;
	s10 =	sshrl.u32 s8, $0x3  }
0xe: {  	s24 =	sor.u32 $0x80, s8;
	s25 =	sadd.s32 s3, s11;
	s31 =	sadd.s32 $0x100, s8  }
0xf: {  	s13 =	sadd.s32 $0x180, s8;
	s11 =	sadd.s32 s5, s11;
	s8 =	sadd.s32 $0x200, s8  }
0x10: {  	s7 =	sshrl.u32 s7, $0x3;
	s4 =	smax.u32 s4, $0x1;
	s23 =	sadd.s32 s26, s10  }
0x11: {  	[dreg:$0x9] =	wrdreg s25;
	s29 =	sshrl.u32 s24, $0x3;
	s9 =	sshll.u32 s24, $0x4  }
0x12: {  	s12 =	sshrl.u32 s31, $0x3;
	[dreg:$0xe] =	wrdreg s11;
	s14 =	sshll.u32 s8, $0x4  }
0x13: {  	s8 =	sshrl.u32 s8, $0x3;
	s7 =	sadd.s32 s5, s7;
	[dreg:$0x17] =	wrdreg s4  }
0x14: {  	s4 =	sadd.s32 s16, s22;
	s24 =	sadd.s32 $0x400, s19;
	[dreg:$0x8] =	wrdreg s23  }
0x15: {  	s11 =	simm.s32 $0x100;
	s10 =	sadd.s32 s26, s29;
	[dreg:$0x6] =	wrdreg s4  }
0x16: {  	s30 =	sadd.s32 s3, s9;
	s12 =	sadd.s32 s26, s12;
	[dreg:$0xa] =	wrdreg s10  }
0x17: {  	s9 =	sadd.s32 s5, s9;
	s8 =	sadd.s32 s26, s8;
	[dreg:$0xb] =	wrdreg s30  }
0x18: {  	s18 =	sadd.s32 $0x49800, s7;
	s20 =	sadd.s32 $0x4A000, s7;
	[dreg:$0xc] =	wrdreg s12  }
0x19: {  	s21 =	sadd.s32 $0x4A800, s7;
	s23 =	sadd.s32 $0x480, s19;
	[dreg:$0x11] =	wrdreg s9  }
0x1a: {  	s25 =	sshrl.u32 s24, $0x3;
	s29 =	sadd.s32 $0x380, s19;
	[dreg:$0x13] =	wrdreg s8  }
0x1b: {  	s10 =	sshll.u32 s31, $0x4;
	s12 =	sshrl.u32 s13, $0x3;
	[dreg:$0x14] =	wrdreg s18  }
0x1c: {  	s13 =	sshll.u32 s13, $0x4;
	s9 =	sadd.s32 s3, s14;
	[dreg:$0x15] =	wrdreg s20  }
0x1d: {  	[dreg:$0x16] =	wrdreg s21;
	s5 =	sshrl.u32 s23, $0x3;
	s30 =	sadd.s32 $0x300, s19  }
0x1e: {  	s4 =	sshrl.u32 s29, $0x3;
	s31 =	sadd.s32 $0x280, s19;
	s14 =	simm.s32 $0x7  }
0x1f: {  	s19 =	simm.s32 $0x8;
	s20 =	simm.s32 $0x3;
	s21 =	simm.s32 $0xC  }
0x20: {  	s23 =	simm.s32 $0x13;
	s10 =	sadd.s32 s3, s10;
	[dreg:$0x12] =	wrdreg s9  }
0x21: {  	s5 =	sadd.s32 s5, s26;
	s0 =	sshrl.u32 s30, $0x3;
	[dreg:$0x1c] =	wrdreg s31  }
0x22: {  	s4 =	sadd.s32 s4, s26;
	s9 =	simm.s32 $0x280;
	[dreg:$0xd] =	wrdreg s10  }
0x23: {  	s10 =	sadd.s32 s26, s12;
	[dreg:$0x18] =	wrdreg s5;
	s5 =	sadd.s32 s25, s26  }
0x24: {  	[dreg:$0x1a] =	wrdreg s4;
	s0 =	sadd.s32 s0, s26;
	s12 =	simm.s32 $0x6  }
0x25: {  	s25 =	simm.s32 $0x12;
	s4 =	simm.s32 $0x14;
	[dreg:$0xf] =	wrdreg s10  }
0x26: {  	s10 =	sadd.s32 s3, s13;
	s3 =	sadd.s32 s15, s3;
	[dreg:$0x19] =	wrdreg s5  }
0x27: {  	[dreg:$0x1b] =	wrdreg s0;
	s13 =	simm.s32 $0x1;
	s15 =	simm.s32 $0x2  }
0x28: {  	[dreg:$0x10] =	wrdreg s10;
	s3 =	sadd.s32 s16, s3;
	s10 =	simm.s32 $0x4280  }
0x29: {  	s16 =	simm.s32 $0xB;
	[dreg:$0x5] =	wrdreg s3;
	s3 =	simm.s32 $0x0  }
.LBB2_1:
0x2a: {  	[dreg:$0x1d] =	wrdreg s3  }
0x2b: {  	s0 =	sshrl.u32 @!p0 s1, $0x3;
	s3 =	simm.s32 @!p0 $0x1C15;
	s5 =	rddreg [dreg:$0x7]  }
0x2c: {  	[spmem:s0], [sflag:s3] =	dma.local @!p0 [hbm:s5], $0x13880  }
0x2d: {  	s0 =	simm.s32 @!p0 $0x15  }
0x2e: {  	_ =	swait.ge @!p0 [sflag:s0], $0x13880  }
0x2f: {  	[sflag:s0] =	ssyncset.done @!p0 $0x0  }
0x30: {  	[sflag:s0] =	ssyncadd.s32 @!p0 $0xFFFEC780  }
0x31: {  	[bflag:$0x0] =	sbarrier.arrive $0xFFFF  }
0x32: {  	s7 =	rddreg [dreg:$0x8]  }
0x33: {  	[tilespmem:s2], [sflag:$0x6] =	stream.linear.gather [hbm4b:s7+s2], $0x80, $0x38;
	[tilespmem:$0x1DEC0] =	vst v63  }
0x34: {  	s8 =	rddreg [dreg:$0x9]  }
0x35: {  	[tilespmem:s9], [sflag:$0x1] =	stream.linear.gather [hbm4b:s8+s2], $0x4000, $0x38;
	[tilespmem:$0x1DEC0] =	vst v63  }
0x36: {  	s17 =	rddreg [dreg:$0xa]  }
0x37: {  	[tilespmem:s28], [sflag:$0x7] =	stream.linear.gather [hbm4b:s17+s2], $0x80, $0x38;
	[tilespmem:$0x1DEC0] =	vst v63  }
0x38: {  	s18 =	rddreg [dreg:$0xb]  }
0x39: {  	[tilespmem:s10], [sflag:$0x2] =	stream.linear.gather [hbm4b:s18+s2], $0x4000, $0x38;
	[tilespmem:$0x1DEC0] =	vst v63  }
0x3a: {  	s22 =	rddreg [dreg:$0xc]  }
0x3b: {  	[tilespmem:s11], [sflag:$0x8] =	stream.linear.gather [hbm4b:s22+s2], $0x80, $0x38;
	[tilespmem:$0x1DEC0] =	vst v63  }
0x3c: {  	s5 =	simm.s32 $0x8280;
	s24 =	rddreg [dreg:$0xd]  }
0x3d: {  	[tilespmem:s5], [sflag:$0x3] =	stream.linear.gather [hbm4b:s24+s2], $0x4000, $0x38;
	[tilespmem:$0x1DEC0] =	vst v63  }
0x3e: {  	_ =	swait.ge [sflag:s12], $0x80  }
0x3f: {  	[sflag:s12] =	ssyncset.done $0x0  }
0x40: {  	[sflag:s12] =	ssyncadd.s32 $0xFFFFFF80  }
0x41: {  	_ =	swait.ge [sflag:s13], $0x4000  }
0x42: {  	[sflag:s13] =	ssyncset.done $0x0  }
0x43: {  	[sflag:s13] =	ssyncadd.s32 $0xFFFFC000  }
0x44: {  	[tilespmem:s9], [sflag:$0xB] =	stream.indirect.gather.add.f32 [spmem:s1], $0x80, s2, s28, $0xb8;
	[tilespmem:$0x1DEC0] =	vst v63  }
0x45: {  	_ =	swait.ge [sflag:s14], $0x80  }
0x46: {  	[sflag:s14] =	ssyncset.done $0x0  }
0x47: {  	[sflag:s14] =	ssyncadd.s32 $0xFFFFFF80  }
0x48: {  	_ =	swait.ge [sflag:s15], $0x4000  }
0x49: {  	[sflag:s15] =	ssyncset.done $0x0  }
0x4a: {  	[sflag:s15] =	ssyncadd.s32 $0xFFFFC000  }
0x4b: {  	[tilespmem:s10], [sflag:$0xC] =	stream.indirect.gather.add.f32 [spmem:s1], $0x80, s28, s28, $0xb8;
	[tilespmem:$0x1DEC0] =	vst v63  }
0x4c: {  	_ =	swait.ge [sflag:s16], $0x4000  }
0x4d: {  	[sflag:s16] =	ssyncset.done $0x0  }
0x4e: {  	s3 =	rddreg [dreg:$0xe];
	[sflag:s16] =	ssyncadd.s32 $0xFFFFC000  }
0x4f: {  	[hbm4b:s3+s2] =	stream.linear.scatter [tilespmem:s9], [sflag:$0x10], $0x4000, $0x38;
	[tilespmem:$0x1DEC0] =	vst v63  }
0x50: {  	s17 =	simm.s32 $0x180;
	s6 =	rddreg [dreg:$0xf]  }
0x51: {  	[tilespmem:s17], [sflag:$0x9] =	stream.linear.gather [hbm4b:s6+s2], $0x80, $0x38;
	[tilespmem:$0x1DEC0] =	vst v63  }
0x52: {  	s18 =	simm.s32 $0xC280;
	s7 =	rddreg [dreg:$0x10]  }
0x53: {  	[tilespmem:s18], [sflag:$0x4] =	stream.linear.gather [hbm4b:s7+s2], $0x4000, $0x38;
	[tilespmem:$0x1DEC0] =	vst v63  }
0x54: {  	_ =	swait.ge [sflag:s19], $0x80  }
0x55: {  	[sflag:s19] =	ssyncset.done $0x0  }
0x56: {  	[sflag:s19] =	ssyncadd.s32 $0xFFFFFF80  }
0x57: {  	_ =	swait.ge [sflag:s20], $0x4000  }
0x58: {  	[sflag:s20] =	ssyncset.done $0x0  }
0x59: {  	[sflag:s20] =	ssyncadd.s32 $0xFFFFC000  }
0x5a: {  	[tilespmem:s5], [sflag:$0xD] =	stream.indirect.gather.add.f32 [spmem:s1], $0x80, s11, s28, $0xb8;
	[tilespmem:$0x1DEC0] =	vst v63  }
0x5b: {  	_ =	swait.ge [sflag:s21], $0x4000  }
0x5c: {  	[sflag:s21] =	ssyncset.done $0x0  }
0x5d: {  	s8 =	rddreg [dreg:$0x11];
	[sflag:s21] =	ssyncadd.s32 $0xFFFFC000  }
0x5e: {  	[hbm4b:s8+s2] =	stream.linear.scatter [tilespmem:s10], [sflag:$0x11], $0x4000, $0x38;
	[tilespmem:$0x1DEC0] =	vst v63  }
0x5f: {  	s24 =	simm.s32 $0x200;
	s22 =	rddreg [dreg:$0x13]  }
0x60: {  	[tilespmem:s24], [sflag:$0xA] =	stream.linear.gather [hbm4b:s22+s2], $0x80, $0x38;
	[tilespmem:$0x1DEC0] =	vst v63  }
0x61: {  	s6 =	simm.s32 $0x9;
	s3 =	rddreg [dreg:$0x12];
	s22 =	simm.s32 $0x10280  }
0x62: {  	[tilespmem:s22], [sflag:$0x5] =	stream.linear.gather [hbm4b:s3+s2], $0x4000, $0x38;
	[tilespmem:$0x1DEC0] =	vst v63  }
0x63: {  	_ =	swait.ge [sflag:s6], $0x80  }
0x64: {  	[sflag:s6] =	ssyncset.done $0x0  }
0x65: {  	s7 =	simm.s32 $0x4;
	[sflag:s6] =	ssyncadd.s32 $0xFFFFFF80  }
0x66: {  	_ =	swait.ge [sflag:s7], $0x4000  }
0x67: {  	[sflag:s7] =	ssyncset.done $0x0  }
0x68: {  	s8 =	simm.s32 $0xD;
	[sflag:s7] =	ssyncadd.s32 $0xFFFFC000  }
0x69: {  	[tilespmem:s18], [sflag:$0xE] =	stream.indirect.gather.add.f32 [spmem:s1], $0x80, s17, s28, $0xb8;
	[tilespmem:$0x1DEC0] =	vst v63  }
0x6a: {  	_ =	swait.ge [sflag:s8], $0x4000  }
0x6b: {  	s6 =	rddreg [dreg:$0x6]  }
0x6c: {  	[sflag:s8] =	ssyncset.done $0x0;
	s0 =	sadd.s32 $0x0, s6  }
0x6d: {  	[sflag:s8] =	ssyncadd.s32 $0xFFFFC000;
	s6 =	simm.s32 $0x10;
	s7 =	sadd.s32 $0x1000, s0  }
0x6e: {  	[hbm4b:s7+s2] =	stream.linear.scatter [tilespmem:s5], [sflag:$0x12], $0x4000, $0x38;
	[tilespmem:$0x1DEC0] =	vst v63  }
0x6f: {  	_ =	swait.ge [sflag:s6], $0x4000  }
0x70: {  	s7 =	rddreg [dreg:$0x1c]  }
0x71: {  	[sflag:s6] =	ssyncset.done $0x0;
	s3 =	sshrl.u32 s7, $0x3  }
0x72: {  	s8 =	rddreg [dreg:$0x5];
	[sflag:s6] =	ssyncadd.s32 $0xFFFFC000;
	s3 =	sadd.s32 s26, s3  }
0x73: {  	[tilespmem:s2], [sflag:$0x6] =	stream.linear.gather [hbm4b:s3+s2], $0x80, $0x38;
	[tilespmem:$0x1DEC0] =	vst v63  }
0x74: {  	s3 =	sadd.s32 $0x0, s8  }
0x75: {  	s8 =	sadd.s32 $0x2800, s3  }
0x76: {  	[tilespmem:s9], [sflag:$0x1] =	stream.linear.gather [hbm4b:s8+s2], $0x4000, $0x38;
	[tilespmem:$0x1DEC0] =	vst v63  }
0x77: {  	s8 =	simm.s32 $0xA  }
0x78: {  	_ =	swait.ge [sflag:s8], $0x80  }
0x79: {  	[sflag:s8] =	ssyncset.done $0x0  }
0x7a: {  	[sflag:s8] =	ssyncadd.s32 $0xFFFFFF80;
	s8 =	simm.s32 $0x5  }
0x7b: {  	_ =	swait.ge [sflag:s8], $0x4000  }
0x7c: {  	[sflag:s8] =	ssyncset.done $0x0  }
0x7d: {  	s6 =	simm.s32 $0xE;
	[sflag:s8] =	ssyncadd.s32 $0xFFFFC000  }
0x7e: {  	[tilespmem:s22], [sflag:$0xF] =	stream.indirect.gather.add.f32 [spmem:s1], $0x80, s24, s28, $0xb8;
	[tilespmem:$0x1DEC0] =	vst v63  }
0x7f: {  	_ =	swait.ge [sflag:s6], $0x4000  }
0x80: {  	[sflag:s6] =	ssyncset.done $0x0  }
0x81: {  	s8 =	sadd.s32 $0x1800, s0;
	[sflag:s6] =	ssyncadd.s32 $0xFFFFC000  }
0x82: {  	[hbm4b:s8+s2] =	stream.linear.scatter [tilespmem:s18], [sflag:$0x13], $0x4000, $0x38;
	[tilespmem:$0x1DEC0] =	vst v63  }
0x83: {  	s8 =	simm.s32 $0x11  }
0x84: {  	_ =	swait.ge [sflag:s8], $0x4000  }
0x85: {  	[sflag:s8] =	ssyncset.done $0x0  }
0x86: {  	s6 =	rddreg [dreg:$0x1b];
	[sflag:s8] =	ssyncadd.s32 $0xFFFFC000  }
0x87: {  	[tilespmem:s28], [sflag:$0x7] =	stream.linear.gather [hbm4b:s6+s2], $0x80, $0x38;
	[tilespmem:$0x1DEC0] =	vst v63  }
0x88: {  	s8 =	sadd.s32 $0x3000, s3  }
0x89: {  	[tilespmem:s10], [sflag:$0x2] =	stream.linear.gather [hbm4b:s8+s2], $0x4000, $0x38;
	[tilespmem:$0x1DEC0] =	vst v63  }
0x8a: {  	_ =	swait.ge [sflag:s12], $0x80  }
0x8b: {  	[sflag:s12] =	ssyncset.done $0x0  }
0x8c: {  	[sflag:s12] =	ssyncadd.s32 $0xFFFFFF80  }
0x8d: {  	_ =	swait.ge [sflag:s13], $0x4000  }
0x8e: {  	[sflag:s13] =	ssyncset.done $0x0  }
0x8f: {  	s8 =	simm.s32 $0xF;
	[sflag:s13] =	ssyncadd.s32 $0xFFFFC000  }
0x90: {  	[tilespmem:s9], [sflag:$0xB] =	stream.indirect.gather.add.f32 [spmem:s1], $0x80, s2, s28, $0xb8;
	[tilespmem:$0x1DEC0] =	vst v63  }
0x91: {  	_ =	swait.ge [sflag:s8], $0x4000  }
0x92: {  	[sflag:s8] =	ssyncset.done $0x0  }
0x93: {  	s13 =	sadd.s32 $0x2000, s0;
	[sflag:s8] =	ssyncadd.s32 $0xFFFFC000  }
0x94: {  	[hbm4b:s13+s2] =	stream.linear.scatter [tilespmem:s22], [sflag:$0x14], $0x4000, $0x38;
	[tilespmem:$0x1DEC0] =	vst v63  }
0x95: {  	_ =	swait.ge [sflag:s25], $0x4000  }
0x96: {  	[sflag:s25] =	ssyncset.done $0x0  }
0x97: {  	s31 =	rddreg [dreg:$0x1a];
	[sflag:s25] =	ssyncadd.s32 $0xFFFFC000  }
0x98: {  	[tilespmem:s11], [sflag:$0x8] =	stream.linear.gather [hbm4b:s31+s2], $0x80, $0x38;
	[tilespmem:$0x1DEC0] =	vst v63  }
0x99: {  	s13 =	sadd.s32 $0x3800, s3  }
0x9a: {  	[tilespmem:s5], [sflag:$0x3] =	stream.linear.gather [hbm4b:s13+s2], $0x4000, $0x38;
	[tilespmem:$0x1DEC0] =	vst v63  }
0x9b: {  	_ =	swait.ge [sflag:s14], $0x80  }
0x9c: {  	[sflag:s14] =	ssyncset.done $0x0  }
0x9d: {  	[sflag:s14] =	ssyncadd.s32 $0xFFFFFF80  }
0x9e: {  	_ =	swait.ge [sflag:s15], $0x4000  }
0x9f: {  	[sflag:s15] =	ssyncset.done $0x0  }
0xa0: {  	[sflag:s15] =	ssyncadd.s32 $0xFFFFC000  }
0xa1: {  	[tilespmem:s10], [sflag:$0xC] =	stream.indirect.gather.add.f32 [spmem:s1], $0x80, s28, s28, $0xb8;
	[tilespmem:$0x1DEC0] =	vst v63  }
0xa2: {  	_ =	swait.ge [sflag:s16], $0x4000  }
0xa3: {  	[sflag:s16] =	ssyncset.done $0x0  }
0xa4: {  	s15 =	sadd.s32 $0x2800, s0;
	[sflag:s16] =	ssyncadd.s32 $0xFFFFC000  }
0xa5: {  	[hbm4b:s15+s2] =	stream.linear.scatter [tilespmem:s9], [sflag:$0x10], $0x4000, $0x38;
	[tilespmem:$0x1DEC0] =	vst v63  }
0xa6: {  	_ =	swait.ge [sflag:s23], $0x4000  }
0xa7: {  	[sflag:s23] =	ssyncset.done $0x0  }
0xa8: {  	s29 =	rddreg [dreg:$0x19];
	[sflag:s23] =	ssyncadd.s32 $0xFFFFC000  }
0xa9: {  	[tilespmem:s17], [sflag:$0x9] =	stream.linear.gather [hbm4b:s29+s2], $0x80, $0x38;
	[tilespmem:$0x1DEC0] =	vst v63  }
0xaa: {  	s17 =	sadd.s32 $0x4000, s3  }
0xab: {  	[tilespmem:s18], [sflag:$0x4] =	stream.linear.gather [hbm4b:s17+s2], $0x4000, $0x38;
	[tilespmem:$0x1DEC0] =	vst v63  }
0xac: {  	_ =	swait.ge [sflag:s19], $0x80  }
0xad: {  	[sflag:s19] =	ssyncset.done $0x0  }
0xae: {  	[sflag:s19] =	ssyncadd.s32 $0xFFFFFF80  }
0xaf: {  	s30 =	simm.s32 $0x2800;
	_ =	swait.ge [sflag:s20], $0x4000  }
0xb0: {  	s8 =	sadd.s32 $0x280, s7;
	s7 =	smov.u32 s26;
	[sflag:s20] =	ssyncset.done $0x0  }
0xb1: {  	s13 =	sadd.s32 $0x50, s6;
	s14 =	simm.s32 $0x6;
	[sflag:s20] =	ssyncadd.s32 $0xFFFFC000  }
0xb2: {  	[tilespmem:s5], [sflag:$0xD] =	stream.indirect.gather.add.f32 [spmem:s1], $0x80, s11, s28, $0xb8;
	[tilespmem:$0x1DEC0] =	vst v63  }
0xb3: {  	s0 =	sadd.s32 $0x3000, s0;
	s16 =	simm.s32 $0x7;
	_ =	swait.ge [sflag:s21], $0x4000  }
0xb4: {  	s9 =	simm.s32 $0x280;
	s15 =	simm.s32 $0x1;
	[sflag:s21] =	ssyncset.done $0x0  }
0xb5: {  	s17 =	simm.s32 $0x2;
	s18 =	simm.s32 $0xB;
	[sflag:s21] =	ssyncadd.s32 $0xFFFFC000  }
0xb6: {  	[hbm4b:s0+s2] =	stream.linear.scatter [tilespmem:s10], [sflag:$0x11], $0x4000, $0x38;
	[tilespmem:$0x1DEC0] =	vst v63  }
0xb7: {  	s11 =	simm.s32 $0x100;
	s21 =	simm.s32 $0xC;
	_ =	swait.ge [sflag:s4], $0x4000  }
0xb8: {  	s0 =	sadd.s32 $0x4800, s3;
	[sflag:s4] =	ssyncset.done $0x0;
	s22 =	rddreg [dreg:$0x18]  }
0xb9: {  	s10 =	simm.s32 $0x4280;
	[sflag:s4] =	ssyncadd.s32 $0xFFFFC000;
	s26 =	smov.u32 s22  }
0xba: {  	[tilespmem:s24], [sflag:$0xA] =	stream.linear.gather [hbm4b:s22+s2], $0x80, $0x38;
	[tilespmem:$0x1DEC0] =	vst v63  }
.LBB2_2:
0xbb: {  	s22 =	simm.s32 $0x10280;
	s19 =	simm.s32 $0x9  }
0xbc: {  	[tilespmem:s22], [sflag:$0x5] =	stream.linear.gather [hbm4b:s0+s2], $0x4000, $0x38;
	[tilespmem:$0x1DEC0] =	vst v63  }
0xbd: {  	_ =	swait.ge [sflag:s19], $0x80  }
0xbe: {  	[sflag:s19] =	ssyncset.done $0x0  }
0xbf: {  	s20 =	simm.s32 $0x4;
	[sflag:s19] =	ssyncadd.s32 $0xFFFFFF80  }
0xc0: {  	_ =	swait.ge [sflag:s20], $0x4000  }
0xc1: {  	s5 =	simm.s32 $0xD;
	[sflag:s20] =	ssyncset.done $0x0  }
0xc2: {  	s19 =	simm.s32 $0x180;
	[sflag:s20] =	ssyncadd.s32 $0xFFFFC000;
	s20 =	simm.s32 $0xC280  }
0xc3: {  	[tilespmem:s20], [sflag:$0xE] =	stream.indirect.gather.add.f32 [spmem:s1], $0x80, s19, s28, $0xb8;
	[tilespmem:$0x1DEC0] =	vst v63  }
0xc4: {  	_ =	swait.ge [sflag:s5], $0x4000  }
0xc5: {  	s3 =	smov.u32 s30;
	s24 =	rddreg [dreg:$0x6]  }
0xc6: {  	s12 =	simm.s32 $0x8280;
	[sflag:s5] =	ssyncset.done $0x0;
	s0 =	sadd.s32 s3, s24  }
0xc7: {  	[sflag:s5] =	ssyncadd.s32 $0xFFFFC000;
	s24 =	simm.s32 $0x10;
	s6 =	sadd.s32 $0x1000, s0  }
0xc8: {  	[hbm4b:s6+s2] =	stream.linear.scatter [tilespmem:s12], [sflag:$0x12], $0x4000, $0x38;
	[tilespmem:$0x1DEC0] =	vst v63  }
0xc9: {  	_ =	swait.ge [sflag:s24], $0x4000  }
0xca: {  	s5 =	sshrl.u32 s8, $0x3;
	[sflag:s24] =	ssyncset.done $0x0;
	s6 =	rddreg [dreg:$0x5]  }
0xcb: {  	s5 =	sadd.s32 s7, s5;
	[sflag:s24] =	ssyncadd.s32 $0xFFFFC000;
	s3 =	sadd.s32 s3, s6  }
0xcc: {  	[tilespmem:s2], [sflag:$0x6] =	stream.linear.gather [hbm4b:s5+s2], $0x80, $0x38;
	[tilespmem:$0x1DEC0] =	vst v63  }
0xcd: {  	s6 =	simm.s32 $0xA;
	s24 =	sadd.s32 $0x2800, s3  }
0xce: {  	[tilespmem:s9], [sflag:$0x1] =	stream.linear.gather [hbm4b:s24+s2], $0x4000, $0x38;
	[tilespmem:$0x1DEC0] =	vst v63  }
0xcf: {  	_ =	swait.ge [sflag:s6], $0x80  }
0xd0: {  	[sflag:s6] =	ssyncset.done $0x0  }
0xd1: {  	s24 =	simm.s32 $0x5;
	[sflag:s6] =	ssyncadd.s32 $0xFFFFFF80  }
0xd2: {  	_ =	swait.ge [sflag:s24], $0x4000  }
0xd3: {  	[sflag:s24] =	ssyncset.done $0x0  }
0xd4: {  	s6 =	simm.s32 $0xE;
	[sflag:s24] =	ssyncadd.s32 $0xFFFFC000;
	s24 =	simm.s32 $0x200  }
0xd5: {  	[tilespmem:s22], [sflag:$0xF] =	stream.indirect.gather.add.f32 [spmem:s1], $0x80, s24, s28, $0xb8;
	[tilespmem:$0x1DEC0] =	vst v63  }
0xd6: {  	_ =	swait.ge [sflag:s6], $0x4000  }
0xd7: {  	[sflag:s6] =	ssyncset.done $0x0  }
0xd8: {  	s5 =	sadd.s32 $0x1800, s0;
	[sflag:s6] =	ssyncadd.s32 $0xFFFFC000;
	s6 =	simm.s32 $0x11  }
0xd9: {  	[hbm4b:s5+s2] =	stream.linear.scatter [tilespmem:s20], [sflag:$0x13], $0x4000, $0x38;
	[tilespmem:$0x1DEC0] =	vst v63  }
0xda: {  	_ =	swait.ge [sflag:s6], $0x4000  }
0xdb: {  	[sflag:s6] =	ssyncset.done $0x0  }
0xdc: {  	[sflag:s6] =	ssyncadd.s32 $0xFFFFC000  }
0xdd: {  	[tilespmem:s28], [sflag:$0x7] =	stream.linear.gather [hbm4b:s13+s2], $0x80, $0x38;
	[tilespmem:$0x1DEC0] =	vst v63  }
0xde: {  	s6 =	sadd.s32 $0x3000, s3  }
0xdf: {  	[tilespmem:s10], [sflag:$0x2] =	stream.linear.gather [hbm4b:s6+s2], $0x4000, $0x38;
	[tilespmem:$0x1DEC0] =	vst v63  }
0xe0: {  	_ =	swait.ge [sflag:s14], $0x80  }
0xe1: {  	[sflag:s14] =	ssyncset.done $0x0  }
0xe2: {  	[sflag:s14] =	ssyncadd.s32 $0xFFFFFF80  }
0xe3: {  	_ =	swait.ge [sflag:s15], $0x4000  }
0xe4: {  	[sflag:s15] =	ssyncset.done $0x0  }
0xe5: {  	s6 =	simm.s32 $0xF;
	[sflag:s15] =	ssyncadd.s32 $0xFFFFC000  }
0xe6: {  	[tilespmem:s9], [sflag:$0xB] =	stream.indirect.gather.add.f32 [spmem:s1], $0x80, s2, s28, $0xb8;
	[tilespmem:$0x1DEC0] =	vst v63  }
0xe7: {  	_ =	swait.ge [sflag:s6], $0x4000  }
0xe8: {  	[sflag:s6] =	ssyncset.done $0x0  }
0xe9: {  	s5 =	sadd.s32 $0x2000, s0;
	[sflag:s6] =	ssyncadd.s32 $0xFFFFC000  }
0xea: {  	[hbm4b:s5+s2] =	stream.linear.scatter [tilespmem:s22], [sflag:$0x14], $0x4000, $0x38;
	[tilespmem:$0x1DEC0] =	vst v63  }
0xeb: {  	_ =	swait.ge [sflag:s25], $0x4000  }
0xec: {  	[sflag:s25] =	ssyncset.done $0x0  }
0xed: {  	s31 =	sadd.s32 $0x50, s31;
	[sflag:s25] =	ssyncadd.s32 $0xFFFFC000  }
0xee: {  	[tilespmem:s11], [sflag:$0x8] =	stream.linear.gather [hbm4b:s31+s2], $0x80, $0x38;
	[tilespmem:$0x1DEC0] =	vst v63  }
0xef: {  	s22 =	sadd.s32 $0x3800, s3  }
0xf0: {  	[tilespmem:s12], [sflag:$0x3] =	stream.linear.gather [hbm4b:s22+s2], $0x4000, $0x38;
	[tilespmem:$0x1DEC0] =	vst v63  }
0xf1: {  	_ =	swait.ge [sflag:s16], $0x80  }
0xf2: {  	[sflag:s16] =	ssyncset.done $0x0  }
0xf3: {  	[sflag:s16] =	ssyncadd.s32 $0xFFFFFF80  }
0xf4: {  	_ =	swait.ge [sflag:s17], $0x4000  }
0xf5: {  	[sflag:s17] =	ssyncset.done $0x0  }
0xf6: {  	[sflag:s17] =	ssyncadd.s32 $0xFFFFC000  }
0xf7: {  	[tilespmem:s10], [sflag:$0xC] =	stream.indirect.gather.add.f32 [spmem:s1], $0x80, s28, s28, $0xb8;
	[tilespmem:$0x1DEC0] =	vst v63  }
0xf8: {  	_ =	swait.ge [sflag:s18], $0x4000  }
0xf9: {  	[sflag:s18] =	ssyncset.done $0x0  }
0xfa: {  	s6 =	sadd.s32 $0x2800, s0;
	[sflag:s18] =	ssyncadd.s32 $0xFFFFC000  }
0xfb: {  	[hbm4b:s6+s2] =	stream.linear.scatter [tilespmem:s9], [sflag:$0x10], $0x4000, $0x38;
	[tilespmem:$0x1DEC0] =	vst v63  }
0xfc: {  	_ =	swait.ge [sflag:s23], $0x4000  }
0xfd: {  	[sflag:s23] =	ssyncset.done $0x0  }
0xfe: {  	s29 =	sadd.s32 $0x50, s29;
	[sflag:s23] =	ssyncadd.s32 $0xFFFFC000  }
0xff: {  	[tilespmem:s19], [sflag:$0x9] =	stream.linear.gather [hbm4b:s29+s2], $0x80, $0x38;
	[tilespmem:$0x1DEC0] =	vst v63  }
0x100: {  	s22 =	sadd.s32 $0x4000, s3;
	s19 =	simm.s32 $0x8  }
0x101: {  	[tilespmem:s20], [sflag:$0x4] =	stream.linear.gather [hbm4b:s22+s2], $0x4000, $0x38;
	[tilespmem:$0x1DEC0] =	vst v63  }
0x102: {  	_ =	swait.ge [sflag:s19], $0x80  }
0x103: {  	[sflag:s19] =	ssyncset.done $0x0  }
0x104: {  	s20 =	simm.s32 $0x3;
	[sflag:s19] =	ssyncadd.s32 $0xFFFFFF80  }
0x105: {  	_ =	swait.ge [sflag:s20], $0x4000  }
0x106: {  	[sflag:s20] =	ssyncset.done $0x0  }
0x107: {  	[sflag:s20] =	ssyncadd.s32 $0xFFFFC000  }
0x108: {  	[tilespmem:s12], [sflag:$0xD] =	stream.indirect.gather.add.f32 [spmem:s1], $0x80, s11, s28, $0xb8;
	[tilespmem:$0x1DEC0] =	vst v63  }
0x109: {  	_ =	swait.ge [sflag:s21], $0x4000  }
0x10a: {  	[sflag:s21] =	ssyncset.done $0x0  }
0x10b: {  	p1 =	sne.s32 s30, $0x46000;
	s0 =	sadd.s32 $0x3000, s0;
	[sflag:s21] =	ssyncadd.s32 $0xFFFFC000  }
0x10c: {  	[hbm4b:s0+s2] =	stream.linear.scatter [tilespmem:s10], [sflag:$0x11], $0x4000, $0x38;
	[tilespmem:$0x1DEC0] =	vst v63  }
.Ltmp0:
0x10d: {  	s26 =	sadd.s32 $0x50, s26;
	s30 =	sadd.s32 $0x2800, s30;
	(pc) =	sbr.rel @p1 .LBB2_2-.Ltmp0, $4  }
0x10e: {  	s8 =	sadd.s32 $0x280, s8;
	s13 =	sadd.s32 $0x50, s13;
	_ =	swait.ge [sflag:s4], $0x4000  }
0x10f: {  	s5 =	simm.s32 $0x8280;
	s6 =	simm.s32 $0x180;
	[sflag:s4] =	ssyncset.done $0x0  }
0x110: {  	s12 =	simm.s32 $0x200;
	s0 =	sadd.s32 $0x4800, s3;
	[sflag:s4] =	ssyncadd.s32 $0xFFFFC000  }
0x111: {  	[tilespmem:s24], [sflag:$0xA] =	stream.linear.gather [hbm4b:s26+s2], $0x80, $0x38;
	[tilespmem:$0x1DEC0] =	vst v63  }
0x112: {  	s8 =	simm.s32 $0x10280;
	s11 =	simm.s32 $0x9  }
0x113: {  	[tilespmem:s8], [sflag:$0x5] =	stream.linear.gather [hbm4b:s0+s2], $0x4000, $0x38;
	[tilespmem:$0x1DEC0] =	vst v63  }
0x114: {  	_ =	swait.ge [sflag:s11], $0x80  }
0x115: {  	[sflag:s11] =	ssyncset.done $0x0  }
0x116: {  	s13 =	simm.s32 $0x4;
	[sflag:s11] =	ssyncadd.s32 $0xFFFFFF80  }
0x117: {  	_ =	swait.ge [sflag:s13], $0x4000  }
0x118: {  	[sflag:s13] =	ssyncset.done $0x0  }
0x119: {  	s3 =	simm.s32 $0xC280;
	s14 =	simm.s32 $0xD;
	[sflag:s13] =	ssyncadd.s32 $0xFFFFC000  }
0x11a: {  	[tilespmem:s3], [sflag:$0xE] =	stream.indirect.gather.add.f32 [spmem:s1], $0x80, s6, s28, $0xb8;
	[tilespmem:$0x1DEC0] =	vst v63  }
0x11b: {  	_ =	swait.ge [sflag:s14], $0x4000  }
0x11c: {  	[sflag:s14] =	ssyncset.done $0x0  }
0x11d: {  	s16 =	simm.s32 $0x10;
	s15 =	rddreg [dreg:$0x14];
	[sflag:s14] =	ssyncadd.s32 $0xFFFFC000  }
0x11e: {  	[hbm4b:s15+s2] =	stream.linear.scatter [tilespmem:s5], [sflag:$0x12], $0x4000, $0x38;
	[tilespmem:$0x1DEC0] =	vst v63  }
0x11f: {  	_ =	swait.ge [sflag:s16], $0x4000  }
0x120: {  	[sflag:s16] =	ssyncset.done $0x0  }
0x121: {  	s17 =	simm.s32 $0xA;
	[sflag:s16] =	ssyncadd.s32 $0xFFFFC000  }
0x122: {  	_ =	swait.ge [sflag:s17], $0x80  }
0x123: {  	[sflag:s17] =	ssyncset.done $0x0  }
0x124: {  	s18 =	simm.s32 $0x5;
	[sflag:s17] =	ssyncadd.s32 $0xFFFFFF80  }
0x125: {  	_ =	swait.ge [sflag:s18], $0x4000  }
0x126: {  	[sflag:s18] =	ssyncset.done $0x0  }
0x127: {  	s21 =	simm.s32 $0xE;
	[sflag:s18] =	ssyncadd.s32 $0xFFFFC000  }
0x128: {  	[tilespmem:s8], [sflag:$0xF] =	stream.indirect.gather.add.f32 [spmem:s1], $0x80, s12, s28, $0xb8;
	[tilespmem:$0x1DEC0] =	vst v63  }
0x129: {  	_ =	swait.ge [sflag:s21], $0x4000  }
0x12a: {  	[sflag:s21] =	ssyncset.done $0x0  }
0x12b: {  	s24 =	simm.s32 $0x11;
	s22 =	rddreg [dreg:$0x15];
	[sflag:s21] =	ssyncadd.s32 $0xFFFFC000  }
0x12c: {  	[hbm4b:s22+s2] =	stream.linear.scatter [tilespmem:s3], [sflag:$0x13], $0x4000, $0x38;
	[tilespmem:$0x1DEC0] =	vst v63  }
0x12d: {  	_ =	swait.ge [sflag:s24], $0x4000  }
0x12e: {  	[sflag:s24] =	ssyncset.done $0x0  }
0x12f: {  	s26 =	simm.s32 $0xF;
	[sflag:s24] =	ssyncadd.s32 $0xFFFFC000  }
0x130: {  	_ =	swait.ge [sflag:s26], $0x4000  }
0x131: {  	[sflag:s26] =	ssyncset.done $0x0  }
0x132: {  	s29 =	rddreg [dreg:$0x16];
	[sflag:s26] =	ssyncadd.s32 $0xFFFFC000  }
0x133: {  	[hbm4b:s29+s2] =	stream.linear.scatter [tilespmem:s8], [sflag:$0x14], $0x4000, $0x38;
	[tilespmem:$0x1DEC0] =	vst v63  }
0x134: {  	_ =	swait.ge [sflag:s25], $0x4000  }
0x135: {  	[sflag:s25] =	ssyncset.done $0x0  }
0x136: {  	[sflag:s25] =	ssyncadd.s32 $0xFFFFC000  }
0x137: {  	_ =	swait.ge [sflag:s23], $0x4000  }
0x138: {  	[sflag:s23] =	ssyncset.done $0x0  }
0x139: {  	[sflag:s23] =	ssyncadd.s32 $0xFFFFC000  }
0x13a: {  	_ =	swait.ge [sflag:s4], $0x4000  }
0x13b: {  	s30 =	rddreg [dreg:$0x1d]  }
0x13c: {  	s31 =	rddreg [dreg:$0x17];
	s3 =	sadd.s32 $0x1, s30  }
0x13d: {  	p1 =	sne.s32 s3, s31  }
.Ltmp1:
0x13e: {  	_ = 	snop;
	(pc) =	sbr.rel @p1 .LBB2_1-.Ltmp1, $4  }
0x13f: {  	s9 =	simm.s32 $0x280;
	s10 =	simm.s32 $0x4280;
	s11 =	simm.s32 $0x100  }
0x140: {  	s13 =	simm.s32 $0x1;
	s14 =	simm.s32 $0x7;
	s15 =	simm.s32 $0x2  }
0x141: {  	s16 =	simm.s32 $0xB;
	s12 =	simm.s32 $0x6;
	[sflag:s4] =	ssyncset.done $0x0  }
0x142: {  	s21 =	simm.s32 $0xC;
	s26 =	smov.u32 s7;
	[sflag:s4] =	ssyncadd.s32 $0xFFFFC000  }
0x143: {  	_ =	sfence.sel $0x180000  }
0x144: {  	[bflag:$0x0] =	sbarrier.arrive $0xFFFF  }
0x145: {  	_ =	strace $0x90000047  }
0x146: {  	[bflag:$0x2] =	sbarrier.arrive $0xFFFF  }
0x147: {  	s0 =	rddreg [dreg:$0x4]  }
0x148: {  	s0 =	sadd.s32 @!p0 $0x100000, s0  }
0x149: {  	[sflag:s0] =	ssyncadd.tile.s32 @!p0 $0x1;
	_ =	shalt  }
.Lfunc_end2:
_tile_overlayer_lowered:
.L_overlay_start_2:
0x14a: {  	(tag) =	ssettag $0x2  }
0x14b: {  	s0 =	rddreg [dreg:$0x0];
	s2 =	stileid.u32  }
0x14c: {  	s1 =	rddreg [dreg:$0x1];
	p0 =	sne.s32 s2, $0x0  }
0x14d: {  	s3 =	rddreg [dreg:$0x2];
	[bflag:$0x3] =	sbarrier.arrive $0xFFFF;
	s2 =	simm.s32 @!p0 $0x1C15  }
0x14e: {  	[timem:s3], [sflag:s2] =	dma.local @!p0 [hbm:s0], s1  }
0x14f: {  	s0 =	simm.s32 @!p0 $0x15  }
0x150: {  	_ =	swait.ge @!p0 [sflag:s0], s1  }
0x151: {  	s1 =	ssub.s32 @!p0 $0x0, s1;
	[sflag:s0] =	ssyncset.done @!p0 $0x0  }
0x152: {  	[sflag:s0] =	ssyncadd.s32 @!p0 s1  }
0x153: {  	[bflag:$0x3] =	sbarrier.arrive $0xFFFF  }
0x154: {  	_ =	shalt  }

</sc_bundles>
